<compile_context>
chip_gen: v7x
topology: tpu7x:2x2x1
jax: 0.10.2.dev20260603
libtpu: 0.0.44.dev20260713+nightly
codegen_flags: <defaults>
</compile_context>

<pallas_src>
import functools
import math

import jax
import jax.numpy as jnp
from jax import lax
from jax.experimental import pallas as pl
from jax.experimental.pallas import tpu as pltpu
from jax.experimental.pallas import tpu_sc as plsc

_NC = 2
_NS = 16
_NW = _NC * _NS
_LANES = 16
_IBLK = 32
_CBLK = 128
_NCOL = _CBLK // _IBLK
_LSPLIT = 1
_PADW = 128
_GBUF = 4
_OBUF = 2
_STEP = 4
_OPAD = 129


@functools.partial(jax.jit, static_argnums=(2,))
def _emb_lookup(tok_t, table_p, emb):
    n_rows, b_tot = tok_t.shape
    n_items = n_rows // _LSPLIT
    assert n_rows % _LSPLIT == 0 and n_items % _STEP == 0
    assert b_tot == (_NW // _LSPLIT) * _CBLK

    mesh = plsc.VectorSubcoreMesh(
        core_axis_name="c", subcore_axis_name="s",
        num_cores=_NC, num_subcores=_NS,
    )

    def body(tok_hbm, tab_hbm, out_hbm, tok_v, rows, outs, gsems, osems):
        wid = lax.axis_index("s") * _NC + lax.axis_index("c")
        col0 = (wid % (_NW // _LSPLIT)) * _CBLK
        l0 = (wid // (_NW // _LSPLIT)) * n_items

        pltpu.sync_copy(
            tok_hbm.at[pl.ds(l0, n_items), pl.ds(col0, _CBLK)], tok_v
        )

        def fire_gather(i, gb):
            for c in range(_NCOL):
                pltpu.async_copy(
                    tab_hbm.at[tok_v.at[i, pl.ds(c * _IBLK, _IBLK)]],
                    rows[gb].at[pl.ds(c * _IBLK, _IBLK)],
                    gsems[gb],
                )

        def wait_gather(i, gb):
            for c in range(_NCOL):
                pltpu.make_async_copy(
                    tab_hbm.at[tok_v.at[i, pl.ds(c * _IBLK, _IBLK)]],
                    rows[gb].at[pl.ds(c * _IBLK, _IBLK)],
                    gsems[gb],
                ).wait()

        def item_body(i, gb, ob, fire, wait_out):
            wait_gather(i, gb)
            if wait_out:
                def _w():
                    pltpu.make_async_copy(
                        outs[ob].at[:, pl.ds(0, _CBLK)],
                        out_hbm.at[l0 + i - _OBUF, :, pl.ds(col0, _CBLK)],
                        osems[ob],
                    ).wait()
                if isinstance(i, int):
                    _w()
                else:
                    pl.when(i >= _OBUF)(_w)
            zeros = jnp.zeros((_LANES,), jnp.int32)
            iota = lax.iota(jnp.int32, _LANES)

            @plsc.parallel_loop(0, _CBLK, step=2, unroll=2)
            def tok_loop(j, gb=gb, ob=ob):
                n_eg = emb // _LANES
                vs = [rows[gb][j + dj, pl.ds(eg * _LANES, _LANES)]
                      for dj in range(2) for eg in range(n_eg)]
                for dj in range(2):
                    colv = zeros + (j + dj)
                    for eg in range(n_eg):
                        plsc.store_scatter(
                            outs[ob], [iota + (eg * _LANES), colv],
                            vs[dj * n_eg + eg],
                        )
            if fire:
                def _f():
                    fire_gather(i + _GBUF, gb)
                if isinstance(i, int):
                    _f()
                else:
                    pl.when(i + _GBUF < n_items)(_f)
            pltpu.async_copy(
                outs[ob].at[:, pl.ds(0, _CBLK)],
                out_hbm.at[l0 + i, :, pl.ds(col0, _CBLK)], osems[ob]
            )

        for b in range(_GBUF):
            fire_gather(b, b)

        @pl.loop(0, n_items, step=_STEP)
        def main_loop(g):
            for k in range(_STEP):
                item_body(g + k, k % _GBUF, k % _OBUF,
                          fire=True, wait_out=True)

        for i in range(n_items - _OBUF, n_items):
            pltpu.make_async_copy(
                outs[i % _OBUF].at[:, pl.ds(0, _CBLK)],
                out_hbm.at[l0 + i, :, pl.ds(col0, _CBLK)],
                osems[i % _OBUF],
            ).wait()

    run = pl.kernel(
        body,
        out_type=jax.ShapeDtypeStruct((n_rows, emb, b_tot), jnp.float32),
        mesh=mesh,
        compiler_params=pltpu.CompilerParams(needs_layout_passes=False),
        scratch_types=[
            pltpu.VMEM((n_rows // _LSPLIT, _CBLK), jnp.int32),
            [pltpu.VMEM((_CBLK, _PADW), jnp.float32)] * _GBUF,
            [pltpu.VMEM((emb, _OPAD), jnp.float32)] * _OBUF,
            [pltpu.SemaphoreType.DMA] * _GBUF,
            [pltpu.SemaphoreType.DMA] * _OBUF,
        ],
    )
    return run(tok_t, table_p)


_TBW = 2048


def _table_prep(table):
    vocab, emb = table.shape
    grid = (vocab + _TBW - 1) // _TBW

    def body(tt_ref, out_ref):
        y = jnp.transpose(tt_ref[...], (1, 0))
        out_ref[:, 0:emb] = y * jnp.float32(math.sqrt(emb))
        out_ref[:, emb:_PADW] = jnp.zeros((_TBW, _PADW - emb), jnp.float32)

    return pl.pallas_call(
        body,
        out_shape=jax.ShapeDtypeStruct((vocab, _PADW), jnp.float32),
        grid=(grid,),
        in_specs=[pl.BlockSpec((emb, _TBW), lambda i: (0, i))],
        out_specs=pl.BlockSpec((_TBW, _PADW), lambda i: (i, 0)),
    )(table.T)


def kernel(tokens, table):
    vocab, emb = table.shape
    tok_t = tokens.T.astype(jnp.int32)
    table_p = _table_prep(table)
    out_t = _emb_lookup(tok_t, table_p, emb)
    return jnp.transpose(out_t, (2, 0, 1))

# --- scband reference (transcript-rebuilt; emitter-appended) ---
"""Pipeline reference for scband-token-embedding-62921270886541 (READ-ONLY COPY).

The authoritative reference and input builder live on the scoring server;
editing this copy changes nothing except your own understanding.
"""

import jax, jax.numpy as jnp
import numpy as np
import math

VOCAB = 1000000
EMB = 64
B = 4096
L = 200

def setup_inputs(seed: int = 0) -> dict:
    key = jax.random.key(seed)
    k_tok, k_tab = jax.random.split(key)
    tokens = jax.random.randint(k_tok, (B, L), 0, VOCAB, dtype=jnp.int64) if jax.config.jax_enable_x64 else jax.random.randint(k_tok, (B, L), 0, VOCAB, dtype=jnp.int32)
    table = jax.random.normal(k_tab, (VOCAB, EMB), dtype=jnp.float32)
    return {"tokens": tokens, "table": table}

def reference(tokens, table):
    # TokenEmbedding.forward: embedding(tokens.long()) * sqrt(emb_size)
    emb = jnp.take(table, tokens, axis=0)
    return emb * math.sqrt(EMB)

if __name__ == "__main__":
    import jax
    _d = setup_inputs()
    print(jax.jit(kernel)(*tuple(_d.values())))

</pallas_src>

<mosaic_0001>
#map = affine_map<(d0, d1) -> (0, 0)>
#map1 = affine_map<(d0, d1) -> (0, 0, 0)>
module attributes {stable_mosaic.version = 14 : i64} {
  func.func @body(%arg0: i32, %arg1: i32, %arg2: memref<200x4096xi32, #tpu.memory_space<hbm>>, %arg3: memref<1000000x128xf32, #tpu.memory_space<hbm>>, %arg4: memref<200x64x4096xf32, #tpu.memory_space<hbm>>, %arg5: memref<200x128xi32, #tpu.memory_space<vmem>>, %arg6: memref<128x128xf32, #tpu.memory_space<vmem>>, %arg7: memref<128x128xf32, #tpu.memory_space<vmem>>, %arg8: memref<128x128xf32, #tpu.memory_space<vmem>>, %arg9: memref<128x128xf32, #tpu.memory_space<vmem>>, %arg10: memref<64x129xf32, #tpu.memory_space<vmem>>, %arg11: memref<64x129xf32, #tpu.memory_space<vmem>>, %arg12: memref<!tpu.dma_semaphore, #tpu.memory_space<semaphore_mem>>, %arg13: memref<!tpu.dma_semaphore, #tpu.memory_space<semaphore_mem>>, %arg14: memref<!tpu.dma_semaphore, #tpu.memory_space<semaphore_mem>>, %arg15: memref<!tpu.dma_semaphore, #tpu.memory_space<semaphore_mem>>, %arg16: memref<!tpu.dma_semaphore, #tpu.memory_space<semaphore_mem>>, %arg17: memref<!tpu.dma_semaphore, #tpu.memory_space<semaphore_mem>>) attributes {dimension_semantics = [#tpu.dimension_semantics<core_parallel>, #tpu.dimension_semantics<subcore_parallel>], iteration_bounds = array<i64: 2, 16>, scalar_prefetch = 0 : i64, scratch_operands = 13 : i64, tpu.core_type = #tpu.core_type<sc_vector_subcore>, window_params = [{transform_indices = #map}, {transform_indices = #map}, {transform_indices = #map1}]} {
    %mul3A = arith.constant 2 : i32
    %mul3A_0 = arith.muli %arg1, %mul3A : i32
    %add3A = arith.addi %mul3A_0, %arg0 : i32
    %jit3A = arith.constant 32 : i32
    %eq3A = arith.constant 0 : i32
    %eq3A_1 = arith.cmpi eq, %jit3A, %eq3A : i32
    %jit3A_2 = arith.constant 1 : i32
    %select_n3A = arith.select %eq3A_1, %jit3A_2, %jit3A : i32
    %rem3A = arith.remsi %add3A, %select_n3A : i32
    %ne3A = arith.constant 0 : i32
    %ne3A_3 = arith.cmpi ne, %rem3A, %ne3A : i32
    %lt3A = arith.constant 0 : i32
    %lt3A_4 = arith.cmpi slt, %rem3A, %lt3A : i32
    %lt3A_5 = arith.constant 0 : i32
    %lt3A_6 = arith.cmpi slt, %select_n3A, %lt3A_5 : i32
    %ne3A_7 = arith.xori %lt3A_4, %lt3A_6 : i1
    %and3A = arith.andi %ne3A_7, %ne3A_3 : i1
    %add3A_8 = arith.addi %rem3A, %select_n3A : i32
    %select_n3A_9 = arith.select %and3A, %add3A_8, %rem3A : i32
    %mul3A_10 = arith.constant 128 : i32
    %mul3A_11 = arith.muli %select_n3A_9, %mul3A_10 : i32
    %jit3A_12 = arith.constant 32 : i32
    %div3A = arith.divsi %add3A, %jit3A_12 : i32
    %sign3A = arith.constant 0 : i32
    %sign3A_13 = arith.cmpi sgt, %add3A, %sign3A : i32
    %sign3A_14 = arith.extui %sign3A_13 : i1 to i32
    %sign3A_15 = arith.constant 0 : i32
    %sign3A_16 = arith.cmpi slt, %add3A, %sign3A_15 : i32
    %sign3A_17 = arith.extui %sign3A_16 : i1 to i32
    %sign3A_18 = arith.subi %sign3A_14, %sign3A_17 : i32
    %sign3A_19 = arith.constant 0 : i32
    %sign3A_20 = arith.cmpi sgt, %jit3A_12, %sign3A_19 : i32
    %sign3A_21 = arith.extui %sign3A_20 : i1 to i32
    %sign3A_22 = arith.constant 0 : i32
    %sign3A_23 = arith.cmpi slt, %jit3A_12, %sign3A_22 : i32
    %sign3A_24 = arith.extui %sign3A_23 : i1 to i32
    %sign3A_25 = arith.subi %sign3A_21, %sign3A_24 : i32
    %ne3A_26 = arith.cmpi ne, %sign3A_18, %sign3A_25 : i32
    %rem3A_27 = arith.remsi %add3A, %jit3A_12 : i32
    %ne3A_28 = arith.constant 0 : i32
    %ne3A_29 = arith.cmpi ne, %rem3A_27, %ne3A_28 : i32
    %and3A_30 = arith.andi %ne3A_26, %ne3A_29 : i1
    %sub3A = arith.constant 1 : i32
    %sub3A_31 = arith.subi %div3A, %sub3A : i32
    %select_n3A_32 = arith.select %and3A_30, %sub3A_31, %div3A : i32
    %mul3A_33 = arith.constant 200 : i32
    %mul3A_34 = arith.muli %select_n3A_32, %mul3A_33 : i32
    "tpu.region"() ({
      %run_scoped3A = tpu.sem_alloc : memref<!tpu.dma_semaphore, #tpu.memory_space<semaphore_mem>>
      %dma_start3A_225 = tpu.memref_slice %arg2[%mul3A_34, %mul3A_11] : memref<200x4096xi32, #tpu.memory_space<hbm>> -> memref<200x128xi32, #tpu.memory_space<hbm>>
      %dma_start3A_226 = tpu.memref_slice %arg2[%mul3A_34, %mul3A_11] : memref<200x4096xi32, #tpu.memory_space<hbm>> -> memref<200x128xi32, #tpu.memory_space<hbm>>
      tpu.enqueue_dma source(%dma_start3A_226 : memref<200x128xi32, #tpu.memory_space<hbm>>) target(%arg5 : memref<200x128xi32, #tpu.memory_space<vmem>>) target_semaphore(%run_scoped3A : memref<!tpu.dma_semaphore, #tpu.memory_space<semaphore_mem>>)
      %dma_wait3A_227 = tpu.memref_slice %arg2[%mul3A_34, %mul3A_11] : memref<200x4096xi32, #tpu.memory_space<hbm>> -> memref<200x128xi32, #tpu.memory_space<hbm>>
      %dma_wait3A_228 = tpu.memref_slice %arg2[%mul3A_34, %mul3A_11] : memref<200x4096xi32, #tpu.memory_space<hbm>> -> memref<200x128xi32, #tpu.memory_space<hbm>>
      tpu.wait_dma2 semaphore(%run_scoped3A : memref<!tpu.dma_semaphore, #tpu.memory_space<semaphore_mem>>) src(%dma_wait3A_228 : memref<200x128xi32, #tpu.memory_space<hbm>>) dst(%arg5 : memref<200x128xi32, #tpu.memory_space<vmem>>)
      tpu.yield
    }) : () -> ()
    %dma_start3A = arith.constant 0 : i32
    %dma_start3A_35 = arith.constant 0 : i32
    %dma_start3A_36 = arith.constant 0 : i32
    %dma_start3A_37 = tpu.memref_slice %arg6[%dma_start3A_35, %dma_start3A_36] : memref<128x128xf32, #tpu.memory_space<vmem>> -> memref<32x128xf32, #tpu.memory_space<vmem>>
    %dma_start3A_38 = arith.constant 0 : i32
    %dma_start3A_39 = tpu.memref_slice %arg5[%dma_start3A, %dma_start3A_38] : memref<200x128xi32, #tpu.memory_space<vmem>> -> memref<1x32xi32, #tpu.memory_space<vmem>>
    %dma_start3A_40 = tpu.memref_squeeze %dma_start3A_39 : memref<1x32xi32, #tpu.memory_space<vmem>> -> memref<32xi32, #tpu.memory_space<vmem>>
    %dma_start3A_41 = arith.constant 0 : i32
    %dma_start3A_42 = arith.constant 0 : i32
    %dma_start3A_43 = tpu.memref_slice %arg3[%dma_start3A_41, %dma_start3A_42] : memref<1000000x128xf32, #tpu.memory_space<hbm>> -> memref<1000000x128xf32, #tpu.memory_space<hbm>>
    tpu.enqueue_indirect_dma source(%dma_start3A_43 : memref<1000000x128xf32, #tpu.memory_space<hbm>>) target(%dma_start3A_37 : memref<32x128xf32, #tpu.memory_space<vmem>>) offsets(%dma_start3A_40 : memref<32xi32, #tpu.memory_space<vmem>>) semaphore(%arg12 : memref<!tpu.dma_semaphore, #tpu.memory_space<semaphore_mem>>)
    %dma_start3A_44 = arith.constant 0 : i32
    %dma_start3A_45 = arith.constant 32 : i32
    %dma_start3A_46 = arith.constant 0 : i32
    %dma_start3A_47 = tpu.memref_slice %arg6[%dma_start3A_45, %dma_start3A_46] : memref<128x128xf32, #tpu.memory_space<vmem>> -> memref<32x128xf32, #tpu.memory_space<vmem>>
    %dma_start3A_48 = arith.constant 32 : i32
    %dma_start3A_49 = tpu.memref_slice %arg5[%dma_start3A_44, %dma_start3A_48] : memref<200x128xi32, #tpu.memory_space<vmem>> -> memref<1x32xi32, #tpu.memory_space<vmem>>
    %dma_start3A_50 = tpu.memref_squeeze %dma_start3A_49 : memref<1x32xi32, #tpu.memory_space<vmem>> -> memref<32xi32, #tpu.memory_space<vmem>>
    %dma_start3A_51 = arith.constant 0 : i32
    %dma_start3A_52 = arith.constant 0 : i32
    %dma_start3A_53 = tpu.memref_slice %arg3[%dma_start3A_51, %dma_start3A_52] : memref<1000000x128xf32, #tpu.memory_space<hbm>> -> memref<1000000x128xf32, #tpu.memory_space<hbm>>
    tpu.enqueue_indirect_dma source(%dma_start3A_53 : memref<1000000x128xf32, #tpu.memory_space<hbm>>) target(%dma_start3A_47 : memref<32x128xf32, #tpu.memory_space<vmem>>) offsets(%dma_start3A_50 : memref<32xi32, #tpu.memory_space<vmem>>) semaphore(%arg12 : memref<!tpu.dma_semaphore, #tpu.memory_space<semaphore_mem>>)
    %dma_start3A_54 = arith.constant 0 : i32
    %dma_start3A_55 = arith.constant 64 : i32
    %dma_start3A_56 = arith.constant 0 : i32
    %dma_start3A_57 = tpu.memref_slice %arg6[%dma_start3A_55, %dma_start3A_56] : memref<128x128xf32, #tpu.memory_space<vmem>> -> memref<32x128xf32, #tpu.memory_space<vmem>>
    %dma_start3A_58 = arith.constant 64 : i32
    %dma_start3A_59 = tpu.memref_slice %arg5[%dma_start3A_54, %dma_start3A_58] : memref<200x128xi32, #tpu.memory_space<vmem>> -> memref<1x32xi32, #tpu.memory_space<vmem>>
    %dma_start3A_60 = tpu.memref_squeeze %dma_start3A_59 : memref<1x32xi32, #tpu.memory_space<vmem>> -> memref<32xi32, #tpu.memory_space<vmem>>
    %dma_start3A_61 = arith.constant 0 : i32
    %dma_start3A_62 = arith.constant 0 : i32
    %dma_start3A_63 = tpu.memref_slice %arg3[%dma_start3A_61, %dma_start3A_62] : memref<1000000x128xf32, #tpu.memory_space<hbm>> -> memref<1000000x128xf32, #tpu.memory_space<hbm>>
    tpu.enqueue_indirect_dma source(%dma_start3A_63 : memref<1000000x128xf32, #tpu.memory_space<hbm>>) target(%dma_start3A_57 : memref<32x128xf32, #tpu.memory_space<vmem>>) offsets(%dma_start3A_60 : memref<32xi32, #tpu.memory_space<vmem>>) semaphore(%arg12 : memref<!tpu.dma_semaphore, #tpu.memory_space<semaphore_mem>>)
    %dma_start3A_64 = arith.constant 0 : i32
    %dma_start3A_65 = arith.constant 96 : i32
    %dma_start3A_66 = arith.constant 0 : i32
    %dma_start3A_67 = tpu.memref_slice %arg6[%dma_start3A_65, %dma_start3A_66] : memref<128x128xf32, #tpu.memory_space<vmem>> -> memref<32x128xf32, #tpu.memory_space<vmem>>
    %dma_start3A_68 = arith.constant 96 : i32
    %dma_start3A_69 = tpu.memref_slice %arg5[%dma_start3A_64, %dma_start3A_68] : memref<200x128xi32, #tpu.memory_space<vmem>> -> memref<1x32xi32, #tpu.memory_space<vmem>>
    %dma_start3A_70 = tpu.memref_squeeze %dma_start3A_69 : memref<1x32xi32, #tpu.memory_space<vmem>> -> memref<32xi32, #tpu.memory_space<vmem>>
    %dma_start3A_71 = arith.constant 0 : i32
    %dma_start3A_72 = arith.constant 0 : i32
    %dma_start3A_73 = tpu.memref_slice %arg3[%dma_start3A_71, %dma_start3A_72] : memref<1000000x128xf32, #tpu.memory_space<hbm>> -> memref<1000000x128xf32, #tpu.memory_space<hbm>>
    tpu.enqueue_indirect_dma source(%dma_start3A_73 : memref<1000000x128xf32, #tpu.memory_space<hbm>>) target(%dma_start3A_67 : memref<32x128xf32, #tpu.memory_space<vmem>>) offsets(%dma_start3A_70 : memref<32xi32, #tpu.memory_space<vmem>>) semaphore(%arg12 : memref<!tpu.dma_semaphore, #tpu.memory_space<semaphore_mem>>)
    %dma_start3A_74 = arith.constant 1 : i32
    %dma_start3A_75 = arith.constant 0 : i32
    %dma_start3A_76 = arith.constant 0 : i32
    %dma_start3A_77 = tpu.memref_slice %arg7[%dma_start3A_75, %dma_start3A_76] : memref<128x128xf32, #tpu.memory_space<vmem>> -> memref<32x128xf32, #tpu.memory_space<vmem>>
    %dma_start3A_78 = arith.constant 0 : i32
    %dma_start3A_79 = tpu.memref_slice %arg5[%dma_start3A_74, %dma_start3A_78] : memref<200x128xi32, #tpu.memory_space<vmem>> -> memref<1x32xi32, #tpu.memory_space<vmem>>
    %dma_start3A_80 = tpu.memref_squeeze %dma_start3A_79 : memref<1x32xi32, #tpu.memory_space<vmem>> -> memref<32xi32, #tpu.memory_space<vmem>>
    %dma_start3A_81 = arith.constant 0 : i32
    %dma_start3A_82 = arith.constant 0 : i32
    %dma_start3A_83 = tpu.memref_slice %arg3[%dma_start3A_81, %dma_start3A_82] : memref<1000000x128xf32, #tpu.memory_space<hbm>> -> memref<1000000x128xf32, #tpu.memory_space<hbm>>
    tpu.enqueue_indirect_dma source(%dma_start3A_83 : memref<1000000x128xf32, #tpu.memory_space<hbm>>) target(%dma_start3A_77 : memref<32x128xf32, #tpu.memory_space<vmem>>) offsets(%dma_start3A_80 : memref<32xi32, #tpu.memory_space<vmem>>) semaphore(%arg13 : memref<!tpu.dma_semaphore, #tpu.memory_space<semaphore_mem>>)
    %dma_start3A_84 = arith.constant 1 : i32
    %dma_start3A_85 = arith.constant 32 : i32
    %dma_start3A_86 = arith.constant 0 : i32
    %dma_start3A_87 = tpu.memref_slice %arg7[%dma_start3A_85, %dma_start3A_86] : memref<128x128xf32, #tpu.memory_space<vmem>> -> memref<32x128xf32, #tpu.memory_space<vmem>>
    %dma_start3A_88 = arith.constant 32 : i32
    %dma_start3A_89 = tpu.memref_slice %arg5[%dma_start3A_84, %dma_start3A_88] : memref<200x128xi32, #tpu.memory_space<vmem>> -> memref<1x32xi32, #tpu.memory_space<vmem>>
    %dma_start3A_90 = tpu.memref_squeeze %dma_start3A_89 : memref<1x32xi32, #tpu.memory_space<vmem>> -> memref<32xi32, #tpu.memory_space<vmem>>
    %dma_start3A_91 = arith.constant 0 : i32
    %dma_start3A_92 = arith.constant 0 : i32
    %dma_start3A_93 = tpu.memref_slice %arg3[%dma_start3A_91, %dma_start3A_92] : memref<1000000x128xf32, #tpu.memory_space<hbm>> -> memref<1000000x128xf32, #tpu.memory_space<hbm>>
    tpu.enqueue_indirect_dma source(%dma_start3A_93 : memref<1000000x128xf32, #tpu.memory_space<hbm>>) target(%dma_start3A_87 : memref<32x128xf32, #tpu.memory_space<vmem>>) offsets(%dma_start3A_90 : memref<32xi32, #tpu.memory_space<vmem>>) semaphore(%arg13 : memref<!tpu.dma_semaphore, #tpu.memory_space<semaphore_mem>>)
    %dma_start3A_94 = arith.constant 1 : i32
    %dma_start3A_95 = arith.constant 64 : i32
    %dma_start3A_96 = arith.constant 0 : i32
    %dma_start3A_97 = tpu.memref_slice %arg7[%dma_start3A_95, %dma_start3A_96] : memref<128x128xf32, #tpu.memory_space<vmem>> -> memref<32x128xf32, #tpu.memory_space<vmem>>
    %dma_start3A_98 = arith.constant 64 : i32
    %dma_start3A_99 = tpu.memref_slice %arg5[%dma_start3A_94, %dma_start3A_98] : memref<200x128xi32, #tpu.memory_space<vmem>> -> memref<1x32xi32, #tpu.memory_space<vmem>>
    %dma_start3A_100 = tpu.memref_squeeze %dma_start3A_99 : memref<1x32xi32, #tpu.memory_space<vmem>> -> memref<32xi32, #tpu.memory_space<vmem>>
    %dma_start3A_101 = arith.constant 0 : i32
    %dma_start3A_102 = arith.constant 0 : i32
    %dma_start3A_103 = tpu.memref_slice %arg3[%dma_start3A_101, %dma_start3A_102] : memref<1000000x128xf32, #tpu.memory_space<hbm>> -> memref<1000000x128xf32, #tpu.memory_space<hbm>>
    tpu.enqueue_indirect_dma source(%dma_start3A_103 : memref<1000000x128xf32, #tpu.memory_space<hbm>>) target(%dma_start3A_97 : memref<32x128xf32, #tpu.memory_space<vmem>>) offsets(%dma_start3A_100 : memref<32xi32, #tpu.memory_space<vmem>>) semaphore(%arg13 : memref<!tpu.dma_semaphore, #tpu.memory_space<semaphore_mem>>)
    %dma_start3A_104 = arith.constant 1 : i32
    %dma_start3A_105 = arith.constant 96 : i32
    %dma_start3A_106 = arith.constant 0 : i32
    %dma_start3A_107 = tpu.memref_slice %arg7[%dma_start3A_105, %dma_start3A_106] : memref<128x128xf32, #tpu.memory_space<vmem>> -> memref<32x128xf32, #tpu.memory_space<vmem>>
    %dma_start3A_108 = arith.constant 96 : i32
    %dma_start3A_109 = tpu.memref_slice %arg5[%dma_start3A_104, %dma_start3A_108] : memref<200x128xi32, #tpu.memory_space<vmem>> -> memref<1x32xi32, #tpu.memory_space<vmem>>
    %dma_start3A_110 = tpu.memref_squeeze %dma_start3A_109 : memref<1x32xi32, #tpu.memory_space<vmem>> -> memref<32xi32, #tpu.memory_space<vmem>>
    %dma_start3A_111 = arith.constant 0 : i32
    %dma_start3A_112 = arith.constant 0 : i32
    %dma_start3A_113 = tpu.memref_slice %arg3[%dma_start3A_111, %dma_start3A_112] : memref<1000000x128xf32, #tpu.memory_space<hbm>> -> memref<1000000x128xf32, #tpu.memory_space<hbm>>
    tpu.enqueue_indirect_dma source(%dma_start3A_113 : memref<1000000x128xf32, #tpu.memory_space<hbm>>) target(%dma_start3A_107 : memref<32x128xf32, #tpu.memory_space<vmem>>) offsets(%dma_start3A_110 : memref<32xi32, #tpu.memory_space<vmem>>) semaphore(%arg13 : memref<!tpu.dma_semaphore, #tpu.memory_space<semaphore_mem>>)
    %dma_start3A_114 = arith.constant 2 : i32
    %dma_start3A_115 = arith.constant 0 : i32
    %dma_start3A_116 = arith.constant 0 : i32
    %dma_start3A_117 = tpu.memref_slice %arg8[%dma_start3A_115, %dma_start3A_116] : memref<128x128xf32, #tpu.memory_space<vmem>> -> memref<32x128xf32, #tpu.memory_space<vmem>>
    %dma_start3A_118 = arith.constant 0 : i32
    %dma_start3A_119 = tpu.memref_slice %arg5[%dma_start3A_114, %dma_start3A_118] : memref<200x128xi32, #tpu.memory_space<vmem>> -> memref<1x32xi32, #tpu.memory_space<vmem>>
    %dma_start3A_120 = tpu.memref_squeeze %dma_start3A_119 : memref<1x32xi32, #tpu.memory_space<vmem>> -> memref<32xi32, #tpu.memory_space<vmem>>
    %dma_start3A_121 = arith.constant 0 : i32
    %dma_start3A_122 = arith.constant 0 : i32
    %dma_start3A_123 = tpu.memref_slice %arg3[%dma_start3A_121, %dma_start3A_122] : memref<1000000x128xf32, #tpu.memory_space<hbm>> -> memref<1000000x128xf32, #tpu.memory_space<hbm>>
    tpu.enqueue_indirect_dma source(%dma_start3A_123 : memref<1000000x128xf32, #tpu.memory_space<hbm>>) target(%dma_start3A_117 : memref<32x128xf32, #tpu.memory_space<vmem>>) offsets(%dma_start3A_120 : memref<32xi32, #tpu.memory_space<vmem>>) semaphore(%arg14 : memref<!tpu.dma_semaphore, #tpu.memory_space<semaphore_mem>>)
    %dma_start3A_124 = arith.constant 2 : i32
    %dma_start3A_125 = arith.constant 32 : i32
    %dma_start3A_126 = arith.constant 0 : i32
    %dma_start3A_127 = tpu.memref_slice %arg8[%dma_start3A_125, %dma_start3A_126] : memref<128x128xf32, #tpu.memory_space<vmem>> -> memref<32x128xf32, #tpu.memory_space<vmem>>
    %dma_start3A_128 = arith.constant 32 : i32
    %dma_start3A_129 = tpu.memref_slice %arg5[%dma_start3A_124, %dma_start3A_128] : memref<200x128xi32, #tpu.memory_space<vmem>> -> memref<1x32xi32, #tpu.memory_space<vmem>>
    %dma_start3A_130 = tpu.memref_squeeze %dma_start3A_129 : memref<1x32xi32, #tpu.memory_space<vmem>> -> memref<32xi32, #tpu.memory_space<vmem>>
    %dma_start3A_131 = arith.constant 0 : i32
    %dma_start3A_132 = arith.constant 0 : i32
    %dma_start3A_133 = tpu.memref_slice %arg3[%dma_start3A_131, %dma_start3A_132] : memref<1000000x128xf32, #tpu.memory_space<hbm>> -> memref<1000000x128xf32, #tpu.memory_space<hbm>>
    tpu.enqueue_indirect_dma source(%dma_start3A_133 : memref<1000000x128xf32, #tpu.memory_space<hbm>>) target(%dma_start3A_127 : memref<32x128xf32, #tpu.memory_space<vmem>>) offsets(%dma_start3A_130 : memref<32xi32, #tpu.memory_space<vmem>>) semaphore(%arg14 : memref<!tpu.dma_semaphore, #tpu.memory_space<semaphore_mem>>)
    %dma_start3A_134 = arith.constant 2 : i32
    %dma_start3A_135 = arith.constant 64 : i32
    %dma_start3A_136 = arith.constant 0 : i32
    %dma_start3A_137 = tpu.memref_slice %arg8[%dma_start3A_135, %dma_start3A_136] : memref<128x128xf32, #tpu.memory_space<vmem>> -> memref<32x128xf32, #tpu.memory_space<vmem>>
    %dma_start3A_138 = arith.constant 64 : i32
    %dma_start3A_139 = tpu.memref_slice %arg5[%dma_start3A_134, %dma_start3A_138] : memref<200x128xi32, #tpu.memory_space<vmem>> -> memref<1x32xi32, #tpu.memory_space<vmem>>
    %dma_start3A_140 = tpu.memref_squeeze %dma_start3A_139 : memref<1x32xi32, #tpu.memory_space<vmem>> -> memref<32xi32, #tpu.memory_space<vmem>>
    %dma_start3A_141 = arith.constant 0 : i32
    %dma_start3A_142 = arith.constant 0 : i32
    %dma_start3A_143 = tpu.memref_slice %arg3[%dma_start3A_141, %dma_start3A_142] : memref<1000000x128xf32, #tpu.memory_space<hbm>> -> memref<1000000x128xf32, #tpu.memory_space<hbm>>
    tpu.enqueue_indirect_dma source(%dma_start3A_143 : memref<1000000x128xf32, #tpu.memory_space<hbm>>) target(%dma_start3A_137 : memref<32x128xf32, #tpu.memory_space<vmem>>) offsets(%dma_start3A_140 : memref<32xi32, #tpu.memory_space<vmem>>) semaphore(%arg14 : memref<!tpu.dma_semaphore, #tpu.memory_space<semaphore_mem>>)
    %dma_start3A_144 = arith.constant 2 : i32
    %dma_start3A_145 = arith.constant 96 : i32
    %dma_start3A_146 = arith.constant 0 : i32
    %dma_start3A_147 = tpu.memref_slice %arg8[%dma_start3A_145, %dma_start3A_146] : memref<128x128xf32, #tpu.memory_space<vmem>> -> memref<32x128xf32, #tpu.memory_space<vmem>>
    %dma_start3A_148 = arith.constant 96 : i32
    %dma_start3A_149 = tpu.memref_slice %arg5[%dma_start3A_144, %dma_start3A_148] : memref<200x128xi32, #tpu.memory_space<vmem>> -> memref<1x32xi32, #tpu.memory_space<vmem>>
    %dma_start3A_150 = tpu.memref_squeeze %dma_start3A_149 : memref<1x32xi32, #tpu.memory_space<vmem>> -> memref<32xi32, #tpu.memory_space<vmem>>
    %dma_start3A_151 = arith.constant 0 : i32
    %dma_start3A_152 = arith.constant 0 : i32
    %dma_start3A_153 = tpu.memref_slice %arg3[%dma_start3A_151, %dma_start3A_152] : memref<1000000x128xf32, #tpu.memory_space<hbm>> -> memref<1000000x128xf32, #tpu.memory_space<hbm>>
    tpu.enqueue_indirect_dma source(%dma_start3A_153 : memref<1000000x128xf32, #tpu.memory_space<hbm>>) target(%dma_start3A_147 : memref<32x128xf32, #tpu.memory_space<vmem>>) offsets(%dma_start3A_150 : memref<32xi32, #tpu.memory_space<vmem>>) semaphore(%arg14 : memref<!tpu.dma_semaphore, #tpu.memory_space<semaphore_mem>>)
    %dma_start3A_154 = arith.constant 3 : i32
    %dma_start3A_155 = arith.constant 0 : i32
    %dma_start3A_156 = arith.constant 0 : i32
    %dma_start3A_157 = tpu.memref_slice %arg9[%dma_start3A_155, %dma_start3A_156] : memref<128x128xf32, #tpu.memory_space<vmem>> -> memref<32x128xf32, #tpu.memory_space<vmem>>
    %dma_start3A_158 = arith.constant 0 : i32
    %dma_start3A_159 = tpu.memref_slice %arg5[%dma_start3A_154, %dma_start3A_158] : memref<200x128xi32, #tpu.memory_space<vmem>> -> memref<1x32xi32, #tpu.memory_space<vmem>>
    %dma_start3A_160 = tpu.memref_squeeze %dma_start3A_159 : memref<1x32xi32, #tpu.memory_space<vmem>> -> memref<32xi32, #tpu.memory_space<vmem>>
    %dma_start3A_161 = arith.constant 0 : i32
    %dma_start3A_162 = arith.constant 0 : i32
    %dma_start3A_163 = tpu.memref_slice %arg3[%dma_start3A_161, %dma_start3A_162] : memref<1000000x128xf32, #tpu.memory_space<hbm>> -> memref<1000000x128xf32, #tpu.memory_space<hbm>>
    tpu.enqueue_indirect_dma source(%dma_start3A_163 : memref<1000000x128xf32, #tpu.memory_space<hbm>>) target(%dma_start3A_157 : memref<32x128xf32, #tpu.memory_space<vmem>>) offsets(%dma_start3A_160 : memref<32xi32, #tpu.memory_space<vmem>>) semaphore(%arg15 : memref<!tpu.dma_semaphore, #tpu.memory_space<semaphore_mem>>)
    %dma_start3A_164 = arith.constant 3 : i32
    %dma_start3A_165 = arith.constant 32 : i32
    %dma_start3A_166 = arith.constant 0 : i32
    %dma_start3A_167 = tpu.memref_slice %arg9[%dma_start3A_165, %dma_start3A_166] : memref<128x128xf32, #tpu.memory_space<vmem>> -> memref<32x128xf32, #tpu.memory_space<vmem>>
    %dma_start3A_168 = arith.constant 32 : i32
    %dma_start3A_169 = tpu.memref_slice %arg5[%dma_start3A_164, %dma_start3A_168] : memref<200x128xi32, #tpu.memory_space<vmem>> -> memref<1x32xi32, #tpu.memory_space<vmem>>
    %dma_start3A_170 = tpu.memref_squeeze %dma_start3A_169 : memref<1x32xi32, #tpu.memory_space<vmem>> -> memref<32xi32, #tpu.memory_space<vmem>>
    %dma_start3A_171 = arith.constant 0 : i32
    %dma_start3A_172 = arith.constant 0 : i32
    %dma_start3A_173 = tpu.memref_slice %arg3[%dma_start3A_171, %dma_start3A_172] : memref<1000000x128xf32, #tpu.memory_space<hbm>> -> memref<1000000x128xf32, #tpu.memory_space<hbm>>
    tpu.enqueue_indirect_dma source(%dma_start3A_173 : memref<1000000x128xf32, #tpu.memory_space<hbm>>) target(%dma_start3A_167 : memref<32x128xf32, #tpu.memory_space<vmem>>) offsets(%dma_start3A_170 : memref<32xi32, #tpu.memory_space<vmem>>) semaphore(%arg15 : memref<!tpu.dma_semaphore, #tpu.memory_space<semaphore_mem>>)
    %dma_start3A_174 = arith.constant 3 : i32
    %dma_start3A_175 = arith.constant 64 : i32
    %dma_start3A_176 = arith.constant 0 : i32
    %dma_start3A_177 = tpu.memref_slice %arg9[%dma_start3A_175, %dma_start3A_176] : memref<128x128xf32, #tpu.memory_space<vmem>> -> memref<32x128xf32, #tpu.memory_space<vmem>>
    %dma_start3A_178 = arith.constant 64 : i32
    %dma_start3A_179 = tpu.memref_slice %arg5[%dma_start3A_174, %dma_start3A_178] : memref<200x128xi32, #tpu.memory_space<vmem>> -> memref<1x32xi32, #tpu.memory_space<vmem>>
    %dma_start3A_180 = tpu.memref_squeeze %dma_start3A_179 : memref<1x32xi32, #tpu.memory_space<vmem>> -> memref<32xi32, #tpu.memory_space<vmem>>
    %dma_start3A_181 = arith.constant 0 : i32
    %dma_start3A_182 = arith.constant 0 : i32
    %dma_start3A_183 = tpu.memref_slice %arg3[%dma_start3A_181, %dma_start3A_182] : memref<1000000x128xf32, #tpu.memory_space<hbm>> -> memref<1000000x128xf32, #tpu.memory_space<hbm>>
    tpu.enqueue_indirect_dma source(%dma_start3A_183 : memref<1000000x128xf32, #tpu.memory_space<hbm>>) target(%dma_start3A_177 : memref<32x128xf32, #tpu.memory_space<vmem>>) offsets(%dma_start3A_180 : memref<32xi32, #tpu.memory_space<vmem>>) semaphore(%arg15 : memref<!tpu.dma_semaphore, #tpu.memory_space<semaphore_mem>>)
    %dma_start3A_184 = arith.constant 3 : i32
    %dma_start3A_185 = arith.constant 96 : i32
    %dma_start3A_186 = arith.constant 0 : i32
    %dma_start3A_187 = tpu.memref_slice %arg9[%dma_start3A_185, %dma_start3A_186] : memref<128x128xf32, #tpu.memory_space<vmem>> -> memref<32x128xf32, #tpu.memory_space<vmem>>
    %dma_start3A_188 = arith.constant 96 : i32
    %dma_start3A_189 = tpu.memref_slice %arg5[%dma_start3A_184, %dma_start3A_188] : memref<200x128xi32, #tpu.memory_space<vmem>> -> memref<1x32xi32, #tpu.memory_space<vmem>>
    %dma_start3A_190 = tpu.memref_squeeze %dma_start3A_189 : memref<1x32xi32, #tpu.memory_space<vmem>> -> memref<32xi32, #tpu.memory_space<vmem>>
    %dma_start3A_191 = arith.constant 0 : i32
    %dma_start3A_192 = arith.constant 0 : i32
    %dma_start3A_193 = tpu.memref_slice %arg3[%dma_start3A_191, %dma_start3A_192] : memref<1000000x128xf32, #tpu.memory_space<hbm>> -> memref<1000000x128xf32, #tpu.memory_space<hbm>>
    tpu.enqueue_indirect_dma source(%dma_start3A_193 : memref<1000000x128xf32, #tpu.memory_space<hbm>>) target(%dma_start3A_187 : memref<32x128xf32, #tpu.memory_space<vmem>>) offsets(%dma_start3A_190 : memref<32xi32, #tpu.memory_space<vmem>>) semaphore(%arg15 : memref<!tpu.dma_semaphore, #tpu.memory_space<semaphore_mem>>)
    %scan3A = arith.constant 0 : i32
    %scan3A_194 = arith.constant 50 : i32
    %scan3A_195 = arith.addi %scan3A, %scan3A_194 : i32
    %scan3A_196 = arith.constant 1 : i32
    scf.for %scan3A_225 = %scan3A to %scan3A_195 step %scan3A_196  : i32 {
      %mul3A_226 = arith.constant 4 : i32
      %mul3A_227 = arith.muli %scan3A_225, %mul3A_226 : i32
      %add3A_228 = arith.constant 0 : i32
      %add3A_229 = arith.addi %add3A_228, %mul3A_227 : i32
      %add3A_230 = arith.constant 0 : i32
      %add3A_231 = arith.addi %add3A_229, %add3A_230 : i32
      %dma_wait3A_232 = arith.constant 0 : i32
      %dma_wait3A_233 = arith.constant 0 : i32
      %dma_wait3A_234 = tpu.memref_slice %arg6[%dma_wait3A_232, %dma_wait3A_233] : memref<128x128xf32, #tpu.memory_space<vmem>> -> memref<32x128xf32, #tpu.memory_space<vmem>>
      %dma_wait3A_235 = arith.constant 0 : i32
      %dma_wait3A_236 = tpu.memref_slice %arg5[%add3A_231, %dma_wait3A_235] : memref<200x128xi32, #tpu.memory_space<vmem>> -> memref<1x32xi32, #tpu.memory_space<vmem>>
      %dma_wait3A_237 = tpu.memref_squeeze %dma_wait3A_236 : memref<1x32xi32, #tpu.memory_space<vmem>> -> memref<32xi32, #tpu.memory_space<vmem>>
      %dma_wait3A_238 = arith.constant 0 : i32
      %dma_wait3A_239 = arith.constant 0 : i32
      %dma_wait3A_240 = tpu.memref_slice %arg3[%dma_wait3A_238, %dma_wait3A_239] : memref<1000000x128xf32, #tpu.memory_space<hbm>> -> memref<1000000x128xf32, #tpu.memory_space<hbm>>
      tpu.wait_indirect_dma semaphore(%arg12 : memref<!tpu.dma_semaphore, #tpu.memory_space<semaphore_mem>>) src(%dma_wait3A_240 : memref<1000000x128xf32, #tpu.memory_space<hbm>>) dst(%dma_wait3A_234 : memref<32x128xf32, #tpu.memory_space<vmem>>)
      %dma_wait3A_241 = arith.constant 32 : i32
      %dma_wait3A_242 = arith.constant 0 : i32
      %dma_wait3A_243 = tpu.memref_slice %arg6[%dma_wait3A_241, %dma_wait3A_242] : memref<128x128xf32, #tpu.memory_space<vmem>> -> memref<32x128xf32, #tpu.memory_space<vmem>>
      %dma_wait3A_244 = arith.constant 32 : i32
      %dma_wait3A_245 = tpu.memref_slice %arg5[%add3A_231, %dma_wait3A_244] : memref<200x128xi32, #tpu.memory_space<vmem>> -> memref<1x32xi32, #tpu.memory_space<vmem>>
      %dma_wait3A_246 = tpu.memref_squeeze %dma_wait3A_245 : memref<1x32xi32, #tpu.memory_space<vmem>> -> memref<32xi32, #tpu.memory_space<vmem>>
      %dma_wait3A_247 = arith.constant 0 : i32
      %dma_wait3A_248 = arith.constant 0 : i32
      %dma_wait3A_249 = tpu.memref_slice %arg3[%dma_wait3A_247, %dma_wait3A_248] : memref<1000000x128xf32, #tpu.memory_space<hbm>> -> memref<1000000x128xf32, #tpu.memory_space<hbm>>
      tpu.wait_indirect_dma semaphore(%arg12 : memref<!tpu.dma_semaphore, #tpu.memory_space<semaphore_mem>>) src(%dma_wait3A_249 : memref<1000000x128xf32, #tpu.memory_space<hbm>>) dst(%dma_wait3A_243 : memref<32x128xf32, #tpu.memory_space<vmem>>)
      %dma_wait3A_250 = arith.constant 64 : i32
      %dma_wait3A_251 = arith.constant 0 : i32
      %dma_wait3A_252 = tpu.memref_slice %arg6[%dma_wait3A_250, %dma_wait3A_251] : memref<128x128xf32, #tpu.memory_space<vmem>> -> memref<32x128xf32, #tpu.memory_space<vmem>>
      %dma_wait3A_253 = arith.constant 64 : i32
      %dma_wait3A_254 = tpu.memref_slice %arg5[%add3A_231, %dma_wait3A_253] : memref<200x128xi32, #tpu.memory_space<vmem>> -> memref<1x32xi32, #tpu.memory_space<vmem>>
      %dma_wait3A_255 = tpu.memref_squeeze %dma_wait3A_254 : memref<1x32xi32, #tpu.memory_space<vmem>> -> memref<32xi32, #tpu.memory_space<vmem>>
      %dma_wait3A_256 = arith.constant 0 : i32
      %dma_wait3A_257 = arith.constant 0 : i32
      %dma_wait3A_258 = tpu.memref_slice %arg3[%dma_wait3A_256, %dma_wait3A_257] : memref<1000000x128xf32, #tpu.memory_space<hbm>> -> memref<1000000x128xf32, #tpu.memory_space<hbm>>
      tpu.wait_indirect_dma semaphore(%arg12 : memref<!tpu.dma_semaphore, #tpu.memory_space<semaphore_mem>>) src(%dma_wait3A_258 : memref<1000000x128xf32, #tpu.memory_space<hbm>>) dst(%dma_wait3A_252 : memref<32x128xf32, #tpu.memory_space<vmem>>)
      %dma_wait3A_259 = arith.constant 96 : i32
      %dma_wait3A_260 = arith.constant 0 : i32
      %dma_wait3A_261 = tpu.memref_slice %arg6[%dma_wait3A_259, %dma_wait3A_260] : memref<128x128xf32, #tpu.memory_space<vmem>> -> memref<32x128xf32, #tpu.memory_space<vmem>>
      %dma_wait3A_262 = arith.constant 96 : i32
      %dma_wait3A_263 = tpu.memref_slice %arg5[%add3A_231, %dma_wait3A_262] : memref<200x128xi32, #tpu.memory_space<vmem>> -> memref<1x32xi32, #tpu.memory_space<vmem>>
      %dma_wait3A_264 = tpu.memref_squeeze %dma_wait3A_263 : memref<1x32xi32, #tpu.memory_space<vmem>> -> memref<32xi32, #tpu.memory_space<vmem>>
      %dma_wait3A_265 = arith.constant 0 : i32
      %dma_wait3A_266 = arith.constant 0 : i32
      %dma_wait3A_267 = tpu.memref_slice %arg3[%dma_wait3A_265, %dma_wait3A_266] : memref<1000000x128xf32, #tpu.memory_space<hbm>> -> memref<1000000x128xf32, #tpu.memory_space<hbm>>
      tpu.wait_indirect_dma semaphore(%arg12 : memref<!tpu.dma_semaphore, #tpu.memory_space<semaphore_mem>>) src(%dma_wait3A_267 : memref<1000000x128xf32, #tpu.memory_space<hbm>>) dst(%dma_wait3A_261 : memref<32x128xf32, #tpu.memory_space<vmem>>)
      %ge3A = arith.constant 2 : i32
      %ge3A_268 = arith.cmpi sge, %add3A_231, %ge3A : i32
      %convert_element_type3A = arith.extui %ge3A_268 : i1 to i32
      %cond3A = arith.constant 0 : i32
      %cond3A_269 = arith.cmpi ne, %convert_element_type3A, %cond3A : i32
      scf.if %cond3A_269 {
        %add3A_500 = arith.addi %mul3A_34, %add3A_231 : i32
        %sub3A_501 = arith.constant 2 : i32
        %sub3A_502 = arith.subi %add3A_500, %sub3A_501 : i32
        %dma_wait3A_503 = arith.constant 0 : i32
        %dma_wait3A_504 = arith.constant 0 : i32
        %dma_wait3A_505 = tpu.memref_slice %arg10[%dma_wait3A_503, %dma_wait3A_504] : memref<64x129xf32, #tpu.memory_space<vmem>> -> memref<64x128xf32, #tpu.memory_space<vmem>>
        %dma_wait3A_506 = arith.constant 0 : i32
        %dma_wait3A_507 = tpu.memref_slice %arg4[%sub3A_502, %dma_wait3A_506, %mul3A_11] : memref<200x64x4096xf32, #tpu.memory_space<hbm>> -> memref<1x64x128xf32, #tpu.memory_space<hbm>>
        %dma_wait3A_508 = tpu.memref_squeeze %dma_wait3A_507 : memref<1x64x128xf32, #tpu.memory_space<hbm>> -> memref<64x128xf32, #tpu.memory_space<hbm>>
        %dma_wait3A_509 = arith.constant 0 : i32
        %dma_wait3A_510 = tpu.memref_slice %arg4[%sub3A_502, %dma_wait3A_509, %mul3A_11] : memref<200x64x4096xf32, #tpu.memory_space<hbm>> -> memref<1x64x128xf32, #tpu.memory_space<hbm>>
        %dma_wait3A_511 = tpu.memref_squeeze %dma_wait3A_510 : memref<1x64x128xf32, #tpu.memory_space<hbm>> -> memref<64x128xf32, #tpu.memory_space<hbm>>
        %dma_wait3A_512 = arith.constant 0 : i32
        %dma_wait3A_513 = arith.constant 0 : i32
        %dma_wait3A_514 = tpu.memref_slice %arg10[%dma_wait3A_512, %dma_wait3A_513] : memref<64x129xf32, #tpu.memory_space<vmem>> -> memref<64x128xf32, #tpu.memory_space<vmem>>
        tpu.wait_dma2 semaphore(%arg16 : memref<!tpu.dma_semaphore, #tpu.memory_space<semaphore_mem>>) src(%dma_wait3A_514 : memref<64x128xf32, #tpu.memory_space<vmem>>) dst(%dma_wait3A_511 : memref<64x128xf32, #tpu.memory_space<hbm>>)
      } else {
      }
      %broadcast_in_dim3A = arith.constant 0 : i32
      %broadcast_in_dim3A_270 = vector.broadcast %broadcast_in_dim3A : i32 to vector<16xi32>
      %iota3A = tpu.iota {dimensions = array<i32: 0>} : vector<16xi32>
      %parallel_loop3A = arith.constant 0 : i32
      %parallel_loop3A_271 = arith.constant 128 : i32
      %parallel_loop3A_272 = arith.constant 2 : i32
      scf.for %parallel_loop3A_500 = %parallel_loop3A to %parallel_loop3A_271 step %parallel_loop3A_272  : i32 {
        %parallel_loop3A_501 = arith.constant 0 : i32
        %parallel_loop3A_502 = arith.addi %parallel_loop3A_500, %parallel_loop3A_501 : i32
        %parallel_loop3A_503 = arith.index_cast %parallel_loop3A_502 : i32 to index
        %parallel_loop3A_504 = arith.constant 0 : index
        %parallel_loop3A_505 = tpu.vector_load %arg6[%parallel_loop3A_503, %parallel_loop3A_504] {strides = array<i32>} : memref<128x128xf32, #tpu.memory_space<vmem>>, vector<16xf32>,
        %parallel_loop3A_506 = arith.constant 0 : i32
        %parallel_loop3A_507 = arith.addi %parallel_loop3A_500, %parallel_loop3A_506 : i32
        %parallel_loop3A_508 = arith.index_cast %parallel_loop3A_507 : i32 to index
        %parallel_loop3A_509 = arith.constant 16 : index
        %parallel_loop3A_510 = tpu.vector_load %arg6[%parallel_loop3A_508, %parallel_loop3A_509] {strides = array<i32>} : memref<128x128xf32, #tpu.memory_space<vmem>>, vector<16xf32>,
        %parallel_loop3A_511 = arith.constant 0 : i32
        %parallel_loop3A_512 = arith.addi %parallel_loop3A_500, %parallel_loop3A_511 : i32
        %parallel_loop3A_513 = arith.index_cast %parallel_loop3A_512 : i32 to index
        %parallel_loop3A_514 = arith.constant 32 : index
        %parallel_loop3A_515 = tpu.vector_load %arg6[%parallel_loop3A_513, %parallel_loop3A_514] {strides = array<i32>} : memref<128x128xf32, #tpu.memory_space<vmem>>, vector<16xf32>,
        %parallel_loop3A_516 = arith.constant 0 : i32
        %parallel_loop3A_517 = arith.addi %parallel_loop3A_500, %parallel_loop3A_516 : i32
        %parallel_loop3A_518 = arith.index_cast %parallel_loop3A_517 : i32 to index
        %parallel_loop3A_519 = arith.constant 48 : index
        %parallel_loop3A_520 = tpu.vector_load %arg6[%parallel_loop3A_518, %parallel_loop3A_519] {strides = array<i32>} : memref<128x128xf32, #tpu.memory_space<vmem>>, vector<16xf32>,
        %parallel_loop3A_521 = arith.constant 1 : i32
        %parallel_loop3A_522 = arith.addi %parallel_loop3A_500, %parallel_loop3A_521 : i32
        %parallel_loop3A_523 = arith.index_cast %parallel_loop3A_522 : i32 to index
        %parallel_loop3A_524 = arith.constant 0 : index
        %parallel_loop3A_525 = tpu.vector_load %arg6[%parallel_loop3A_523, %parallel_loop3A_524] {strides = array<i32>} : memref<128x128xf32, #tpu.memory_space<vmem>>, vector<16xf32>,
        %parallel_loop3A_526 = arith.constant 1 : i32
        %parallel_loop3A_527 = arith.addi %parallel_loop3A_500, %parallel_loop3A_526 : i32
        %parallel_loop3A_528 = arith.index_cast %parallel_loop3A_527 : i32 to index
        %parallel_loop3A_529 = arith.constant 16 : index
        %parallel_loop3A_530 = tpu.vector_load %arg6[%parallel_loop3A_528, %parallel_loop3A_529] {strides = array<i32>} : memref<128x128xf32, #tpu.memory_space<vmem>>, vector<16xf32>,
        %parallel_loop3A_531 = arith.constant 1 : i32
        %parallel_loop3A_532 = arith.addi %parallel_loop3A_500, %parallel_loop3A_531 : i32
        %parallel_loop3A_533 = arith.index_cast %parallel_loop3A_532 : i32 to index
        %parallel_loop3A_534 = arith.constant 32 : index
        %parallel_loop3A_535 = tpu.vector_load %arg6[%parallel_loop3A_533, %parallel_loop3A_534] {strides = array<i32>} : memref<128x128xf32, #tpu.memory_space<vmem>>, vector<16xf32>,
        %parallel_loop3A_536 = arith.constant 1 : i32
        %parallel_loop3A_537 = arith.addi %parallel_loop3A_500, %parallel_loop3A_536 : i32
        %parallel_loop3A_538 = arith.index_cast %parallel_loop3A_537 : i32 to index
        %parallel_loop3A_539 = arith.constant 48 : index
        %parallel_loop3A_540 = tpu.vector_load %arg6[%parallel_loop3A_538, %parallel_loop3A_539] {strides = array<i32>} : memref<128x128xf32, #tpu.memory_space<vmem>>, vector<16xf32>,
        %parallel_loop3A_541 = arith.constant 0 : i32
        %parallel_loop3A_542 = arith.addi %parallel_loop3A_500, %parallel_loop3A_541 : i32
        %parallel_loop3A_543 = vector.broadcast %parallel_loop3A_542 : i32 to vector<16xi32>
        %parallel_loop3A_544 = arith.addi %broadcast_in_dim3A_270, %parallel_loop3A_543 : vector<16xi32>
        %parallel_loop3A_545 = arith.constant 0 : i32
        %parallel_loop3A_546 = vector.broadcast %parallel_loop3A_545 : i32 to vector<16xi32>
        %parallel_loop3A_547 = arith.addi %iota3A, %parallel_loop3A_546 : vector<16xi32>
        tpu.vector_store_idx %arg10[%parallel_loop3A_547, %parallel_loop3A_544], %parallel_loop3A_505 : memref<64x129xf32, #tpu.memory_space<vmem>>[vector<16xi32>, vector<16xi32>], vector<16xf32>,
        %parallel_loop3A_548 = arith.constant 16 : i32
        %parallel_loop3A_549 = vector.broadcast %parallel_loop3A_548 : i32 to vector<16xi32>
        %parallel_loop3A_550 = arith.addi %iota3A, %parallel_loop3A_549 : vector<16xi32>
        tpu.vector_store_idx %arg10[%parallel_loop3A_550, %parallel_loop3A_544], %parallel_loop3A_510 : memref<64x129xf32, #tpu.memory_space<vmem>>[vector<16xi32>, vector<16xi32>], vector<16xf32>,
        %parallel_loop3A_551 = arith.constant 32 : i32
        %parallel_loop3A_552 = vector.broadcast %parallel_loop3A_551 : i32 to vector<16xi32>
        %parallel_loop3A_553 = arith.addi %iota3A, %parallel_loop3A_552 : vector<16xi32>
        tpu.vector_store_idx %arg10[%parallel_loop3A_553, %parallel_loop3A_544], %parallel_loop3A_515 : memref<64x129xf32, #tpu.memory_space<vmem>>[vector<16xi32>, vector<16xi32>], vector<16xf32>,
        %parallel_loop3A_554 = arith.constant 48 : i32
        %parallel_loop3A_555 = vector.broadcast %parallel_loop3A_554 : i32 to vector<16xi32>
        %parallel_loop3A_556 = arith.addi %iota3A, %parallel_loop3A_555 : vector<16xi32>
        tpu.vector_store_idx %arg10[%parallel_loop3A_556, %parallel_loop3A_544], %parallel_loop3A_520 : memref<64x129xf32, #tpu.memory_space<vmem>>[vector<16xi32>, vector<16xi32>], vector<16xf32>,
        %parallel_loop3A_557 = arith.constant 1 : i32
        %parallel_loop3A_558 = arith.addi %parallel_loop3A_500, %parallel_loop3A_557 : i32
        %parallel_loop3A_559 = vector.broadcast %parallel_loop3A_558 : i32 to vector<16xi32>
        %parallel_loop3A_560 = arith.addi %broadcast_in_dim3A_270, %parallel_loop3A_559 : vector<16xi32>
        %parallel_loop3A_561 = arith.constant 0 : i32
        %parallel_loop3A_562 = vector.broadcast %parallel_loop3A_561 : i32 to vector<16xi32>
        %parallel_loop3A_563 = arith.addi %iota3A, %parallel_loop3A_562 : vector<16xi32>
        tpu.vector_store_idx %arg10[%parallel_loop3A_563, %parallel_loop3A_560], %parallel_loop3A_525 : memref<64x129xf32, #tpu.memory_space<vmem>>[vector<16xi32>, vector<16xi32>], vector<16xf32>,
        %parallel_loop3A_564 = arith.constant 16 : i32
        %parallel_loop3A_565 = vector.broadcast %parallel_loop3A_564 : i32 to vector<16xi32>
        %parallel_loop3A_566 = arith.addi %iota3A, %parallel_loop3A_565 : vector<16xi32>
        tpu.vector_store_idx %arg10[%parallel_loop3A_566, %parallel_loop3A_560], %parallel_loop3A_530 : memref<64x129xf32, #tpu.memory_space<vmem>>[vector<16xi32>, vector<16xi32>], vector<16xf32>,
        %parallel_loop3A_567 = arith.constant 32 : i32
        %parallel_loop3A_568 = vector.broadcast %parallel_loop3A_567 : i32 to vector<16xi32>
        %parallel_loop3A_569 = arith.addi %iota3A, %parallel_loop3A_568 : vector<16xi32>
        tpu.vector_store_idx %arg10[%parallel_loop3A_569, %parallel_loop3A_560], %parallel_loop3A_535 : memref<64x129xf32, #tpu.memory_space<vmem>>[vector<16xi32>, vector<16xi32>], vector<16xf32>,
        %parallel_loop3A_570 = arith.constant 48 : i32
        %parallel_loop3A_571 = vector.broadcast %parallel_loop3A_570 : i32 to vector<16xi32>
        %parallel_loop3A_572 = arith.addi %iota3A, %parallel_loop3A_571 : vector<16xi32>
        tpu.vector_store_idx %arg10[%parallel_loop3A_572, %parallel_loop3A_560], %parallel_loop3A_540 : memref<64x129xf32, #tpu.memory_space<vmem>>[vector<16xi32>, vector<16xi32>], vector<16xf32>,
      } {sc.loop_unroll_factor = 2 : i64, sc.parallel_access}
      %add3A_273 = arith.constant 4 : i32
      %add3A_274 = arith.addi %add3A_231, %add3A_273 : i32
      %lt3A_275 = arith.constant 200 : i32
      %lt3A_276 = arith.cmpi slt, %add3A_274, %lt3A_275 : i32
      %convert_element_type3A_277 = arith.extui %lt3A_276 : i1 to i32
      %cond3A_278 = arith.constant 0 : i32
      %cond3A_279 = arith.cmpi ne, %convert_element_type3A_277, %cond3A_278 : i32
      scf.if %cond3A_279 {
        %add3A_500 = arith.constant 4 : i32
        %add3A_501 = arith.addi %add3A_231, %add3A_500 : i32
        %dma_start3A_502 = arith.constant 0 : i32
        %dma_start3A_503 = arith.constant 0 : i32
        %dma_start3A_504 = tpu.memref_slice %arg6[%dma_start3A_502, %dma_start3A_503] : memref<128x128xf32, #tpu.memory_space<vmem>> -> memref<32x128xf32, #tpu.memory_space<vmem>>
        %dma_start3A_505 = arith.constant 0 : i32
        %dma_start3A_506 = tpu.memref_slice %arg5[%add3A_501, %dma_start3A_505] : memref<200x128xi32, #tpu.memory_space<vmem>> -> memref<1x32xi32, #tpu.memory_space<vmem>>
        %dma_start3A_507 = tpu.memref_squeeze %dma_start3A_506 : memref<1x32xi32, #tpu.memory_space<vmem>> -> memref<32xi32, #tpu.memory_space<vmem>>
        %dma_start3A_508 = arith.constant 0 : i32
        %dma_start3A_509 = arith.constant 0 : i32
        %dma_start3A_510 = tpu.memref_slice %arg3[%dma_start3A_508, %dma_start3A_509] : memref<1000000x128xf32, #tpu.memory_space<hbm>> -> memref<1000000x128xf32, #tpu.memory_space<hbm>>
        tpu.enqueue_indirect_dma source(%dma_start3A_510 : memref<1000000x128xf32, #tpu.memory_space<hbm>>) target(%dma_start3A_504 : memref<32x128xf32, #tpu.memory_space<vmem>>) offsets(%dma_start3A_507 : memref<32xi32, #tpu.memory_space<vmem>>) semaphore(%arg12 : memref<!tpu.dma_semaphore, #tpu.memory_space<semaphore_mem>>)
        %dma_start3A_511 = arith.constant 32 : i32
        %dma_start3A_512 = arith.constant 0 : i32
        %dma_start3A_513 = tpu.memref_slice %arg6[%dma_start3A_511, %dma_start3A_512] : memref<128x128xf32, #tpu.memory_space<vmem>> -> memref<32x128xf32, #tpu.memory_space<vmem>>
        %dma_start3A_514 = arith.constant 32 : i32
        %dma_start3A_515 = tpu.memref_slice %arg5[%add3A_501, %dma_start3A_514] : memref<200x128xi32, #tpu.memory_space<vmem>> -> memref<1x32xi32, #tpu.memory_space<vmem>>
        %dma_start3A_516 = tpu.memref_squeeze %dma_start3A_515 : memref<1x32xi32, #tpu.memory_space<vmem>> -> memref<32xi32, #tpu.memory_space<vmem>>
        %dma_start3A_517 = arith.constant 0 : i32
        %dma_start3A_518 = arith.constant 0 : i32
        %dma_start3A_519 = tpu.memref_slice %arg3[%dma_start3A_517, %dma_start3A_518] : memref<1000000x128xf32, #tpu.memory_space<hbm>> -> memref<1000000x128xf32, #tpu.memory_space<hbm>>
        tpu.enqueue_indirect_dma source(%dma_start3A_519 : memref<1000000x128xf32, #tpu.memory_space<hbm>>) target(%dma_start3A_513 : memref<32x128xf32, #tpu.memory_space<vmem>>) offsets(%dma_start3A_516 : memref<32xi32, #tpu.memory_space<vmem>>) semaphore(%arg12 : memref<!tpu.dma_semaphore, #tpu.memory_space<semaphore_mem>>)
        %dma_start3A_520 = arith.constant 64 : i32
        %dma_start3A_521 = arith.constant 0 : i32
        %dma_start3A_522 = tpu.memref_slice %arg6[%dma_start3A_520, %dma_start3A_521] : memref<128x128xf32, #tpu.memory_space<vmem>> -> memref<32x128xf32, #tpu.memory_space<vmem>>
        %dma_start3A_523 = arith.constant 64 : i32
        %dma_start3A_524 = tpu.memref_slice %arg5[%add3A_501, %dma_start3A_523] : memref<200x128xi32, #tpu.memory_space<vmem>> -> memref<1x32xi32, #tpu.memory_space<vmem>>
        %dma_start3A_525 = tpu.memref_squeeze %dma_start3A_524 : memref<1x32xi32, #tpu.memory_space<vmem>> -> memref<32xi32, #tpu.memory_space<vmem>>
        %dma_start3A_526 = arith.constant 0 : i32
        %dma_start3A_527 = arith.constant 0 : i32
        %dma_start3A_528 = tpu.memref_slice %arg3[%dma_start3A_526, %dma_start3A_527] : memref<1000000x128xf32, #tpu.memory_space<hbm>> -> memref<1000000x128xf32, #tpu.memory_space<hbm>>
        tpu.enqueue_indirect_dma source(%dma_start3A_528 : memref<1000000x128xf32, #tpu.memory_space<hbm>>) target(%dma_start3A_522 : memref<32x128xf32, #tpu.memory_space<vmem>>) offsets(%dma_start3A_525 : memref<32xi32, #tpu.memory_space<vmem>>) semaphore(%arg12 : memref<!tpu.dma_semaphore, #tpu.memory_space<semaphore_mem>>)
        %dma_start3A_529 = arith.constant 96 : i32
        %dma_start3A_530 = arith.constant 0 : i32
        %dma_start3A_531 = tpu.memref_slice %arg6[%dma_start3A_529, %dma_start3A_530] : memref<128x128xf32, #tpu.memory_space<vmem>> -> memref<32x128xf32, #tpu.memory_space<vmem>>
        %dma_start3A_532 = arith.constant 96 : i32
        %dma_start3A_533 = tpu.memref_slice %arg5[%add3A_501, %dma_start3A_532] : memref<200x128xi32, #tpu.memory_space<vmem>> -> memref<1x32xi32, #tpu.memory_space<vmem>>
        %dma_start3A_534 = tpu.memref_squeeze %dma_start3A_533 : memref<1x32xi32, #tpu.memory_space<vmem>> -> memref<32xi32, #tpu.memory_space<vmem>>
        %dma_start3A_535 = arith.constant 0 : i32
        %dma_start3A_536 = arith.constant 0 : i32
        %dma_start3A_537 = tpu.memref_slice %arg3[%dma_start3A_535, %dma_start3A_536] : memref<1000000x128xf32, #tpu.memory_space<hbm>> -> memref<1000000x128xf32, #tpu.memory_space<hbm>>
        tpu.enqueue_indirect_dma source(%dma_start3A_537 : memref<1000000x128xf32, #tpu.memory_space<hbm>>) target(%dma_start3A_531 : memref<32x128xf32, #tpu.memory_space<vmem>>) offsets(%dma_start3A_534 : memref<32xi32, #tpu.memory_space<vmem>>) semaphore(%arg12 : memref<!tpu.dma_semaphore, #tpu.memory_space<semaphore_mem>>)
      } else {
      }
      %add3A_280 = arith.addi %mul3A_34, %add3A_231 : i32
      %dma_start3A_281 = arith.constant 0 : i32
      %dma_start3A_282 = arith.constant 0 : i32
      %dma_start3A_283 = tpu.memref_slice %arg10[%dma_start3A_281, %dma_start3A_282] : memref<64x129xf32, #tpu.memory_space<vmem>> -> memref<64x128xf32, #tpu.memory_space<vmem>>
      %dma_start3A_284 = arith.constant 0 : i32
      %dma_start3A_285 = tpu.memref_slice %arg4[%add3A_280, %dma_start3A_284, %mul3A_11] : memref<200x64x4096xf32, #tpu.memory_space<hbm>> -> memref<1x64x128xf32, #tpu.memory_space<hbm>>
      %dma_start3A_286 = tpu.memref_squeeze %dma_start3A_285 : memref<1x64x128xf32, #tpu.memory_space<hbm>> -> memref<64x128xf32, #tpu.memory_space<hbm>>
      %dma_start3A_287 = arith.constant 0 : i32
      %dma_start3A_288 = tpu.memref_slice %arg4[%add3A_280, %dma_start3A_287, %mul3A_11] : memref<200x64x4096xf32, #tpu.memory_space<hbm>> -> memref<1x64x128xf32, #tpu.memory_space<hbm>>
      %dma_start3A_289 = tpu.memref_squeeze %dma_start3A_288 : memref<1x64x128xf32, #tpu.memory_space<hbm>> -> memref<64x128xf32, #tpu.memory_space<hbm>>
      %dma_start3A_290 = arith.constant 0 : i32
      %dma_start3A_291 = arith.constant 0 : i32
      %dma_start3A_292 = tpu.memref_slice %arg10[%dma_start3A_290, %dma_start3A_291] : memref<64x129xf32, #tpu.memory_space<vmem>> -> memref<64x128xf32, #tpu.memory_space<vmem>>
      tpu.enqueue_dma source(%dma_start3A_292 : memref<64x128xf32, #tpu.memory_space<vmem>>) target(%dma_start3A_289 : memref<64x128xf32, #tpu.memory_space<hbm>>) target_semaphore(%arg16 : memref<!tpu.dma_semaphore, #tpu.memory_space<semaphore_mem>>)
      %add3A_293 = arith.constant 1 : i32
      %add3A_294 = arith.addi %add3A_229, %add3A_293 : i32
      %dma_wait3A_295 = arith.constant 0 : i32
      %dma_wait3A_296 = arith.constant 0 : i32
      %dma_wait3A_297 = tpu.memref_slice %arg7[%dma_wait3A_295, %dma_wait3A_296] : memref<128x128xf32, #tpu.memory_space<vmem>> -> memref<32x128xf32, #tpu.memory_space<vmem>>
      %dma_wait3A_298 = arith.constant 0 : i32
      %dma_wait3A_299 = tpu.memref_slice %arg5[%add3A_294, %dma_wait3A_298] : memref<200x128xi32, #tpu.memory_space<vmem>> -> memref<1x32xi32, #tpu.memory_space<vmem>>
      %dma_wait3A_300 = tpu.memref_squeeze %dma_wait3A_299 : memref<1x32xi32, #tpu.memory_space<vmem>> -> memref<32xi32, #tpu.memory_space<vmem>>
      %dma_wait3A_301 = arith.constant 0 : i32
      %dma_wait3A_302 = arith.constant 0 : i32
      %dma_wait3A_303 = tpu.memref_slice %arg3[%dma_wait3A_301, %dma_wait3A_302] : memref<1000000x128xf32, #tpu.memory_space<hbm>> -> memref<1000000x128xf32, #tpu.memory_space<hbm>>
      tpu.wait_indirect_dma semaphore(%arg13 : memref<!tpu.dma_semaphore, #tpu.memory_space<semaphore_mem>>) src(%dma_wait3A_303 : memref<1000000x128xf32, #tpu.memory_space<hbm>>) dst(%dma_wait3A_297 : memref<32x128xf32, #tpu.memory_space<vmem>>)
      %dma_wait3A_304 = arith.constant 32 : i32
      %dma_wait3A_305 = arith.constant 0 : i32
      %dma_wait3A_306 = tpu.memref_slice %arg7[%dma_wait3A_304, %dma_wait3A_305] : memref<128x128xf32, #tpu.memory_space<vmem>> -> memref<32x128xf32, #tpu.memory_space<vmem>>
      %dma_wait3A_307 = arith.constant 32 : i32
      %dma_wait3A_308 = tpu.memref_slice %arg5[%add3A_294, %dma_wait3A_307] : memref<200x128xi32, #tpu.memory_space<vmem>> -> memref<1x32xi32, #tpu.memory_space<vmem>>
      %dma_wait3A_309 = tpu.memref_squeeze %dma_wait3A_308 : memref<1x32xi32, #tpu.memory_space<vmem>> -> memref<32xi32, #tpu.memory_space<vmem>>
      %dma_wait3A_310 = arith.constant 0 : i32
      %dma_wait3A_311 = arith.constant 0 : i32
      %dma_wait3A_312 = tpu.memref_slice %arg3[%dma_wait3A_310, %dma_wait3A_311] : memref<1000000x128xf32, #tpu.memory_space<hbm>> -> memref<1000000x128xf32, #tpu.memory_space<hbm>>
      tpu.wait_indirect_dma semaphore(%arg13 : memref<!tpu.dma_semaphore, #tpu.memory_space<semaphore_mem>>) src(%dma_wait3A_312 : memref<1000000x128xf32, #tpu.memory_space<hbm>>) dst(%dma_wait3A_306 : memref<32x128xf32, #tpu.memory_space<vmem>>)
      %dma_wait3A_313 = arith.constant 64 : i32
      %dma_wait3A_314 = arith.constant 0 : i32
      %dma_wait3A_315 = tpu.memref_slice %arg7[%dma_wait3A_313, %dma_wait3A_314] : memref<128x128xf32, #tpu.memory_space<vmem>> -> memref<32x128xf32, #tpu.memory_space<vmem>>
      %dma_wait3A_316 = arith.constant 64 : i32
      %dma_wait3A_317 = tpu.memref_slice %arg5[%add3A_294, %dma_wait3A_316] : memref<200x128xi32, #tpu.memory_space<vmem>> -> memref<1x32xi32, #tpu.memory_space<vmem>>
      %dma_wait3A_318 = tpu.memref_squeeze %dma_wait3A_317 : memref<1x32xi32, #tpu.memory_space<vmem>> -> memref<32xi32, #tpu.memory_space<vmem>>
      %dma_wait3A_319 = arith.constant 0 : i32
      %dma_wait3A_320 = arith.constant 0 : i32
      %dma_wait3A_321 = tpu.memref_slice %arg3[%dma_wait3A_319, %dma_wait3A_320] : memref<1000000x128xf32, #tpu.memory_space<hbm>> -> memref<1000000x128xf32, #tpu.memory_space<hbm>>
      tpu.wait_indirect_dma semaphore(%arg13 : memref<!tpu.dma_semaphore, #tpu.memory_space<semaphore_mem>>) src(%dma_wait3A_321 : memref<1000000x128xf32, #tpu.memory_space<hbm>>) dst(%dma_wait3A_315 : memref<32x128xf32, #tpu.memory_space<vmem>>)
      %dma_wait3A_322 = arith.constant 96 : i32
      %dma_wait3A_323 = arith.constant 0 : i32
      %dma_wait3A_324 = tpu.memref_slice %arg7[%dma_wait3A_322, %dma_wait3A_323] : memref<128x128xf32, #tpu.memory_space<vmem>> -> memref<32x128xf32, #tpu.memory_space<vmem>>
      %dma_wait3A_325 = arith.constant 96 : i32
      %dma_wait3A_326 = tpu.memref_slice %arg5[%add3A_294, %dma_wait3A_325] : memref<200x128xi32, #tpu.memory_space<vmem>> -> memref<1x32xi32, #tpu.memory_space<vmem>>
      %dma_wait3A_327 = tpu.memref_squeeze %dma_wait3A_326 : memref<1x32xi32, #tpu.memory_space<vmem>> -> memref<32xi32, #tpu.memory_space<vmem>>
      %dma_wait3A_328 = arith.constant 0 : i32
      %dma_wait3A_329 = arith.constant 0 : i32
      %dma_wait3A_330 = tpu.memref_slice %arg3[%dma_wait3A_328, %dma_wait3A_329] : memref<1000000x128xf32, #tpu.memory_space<hbm>> -> memref<1000000x128xf32, #tpu.memory_space<hbm>>
      tpu.wait_indirect_dma semaphore(%arg13 : memref<!tpu.dma_semaphore, #tpu.memory_space<semaphore_mem>>) src(%dma_wait3A_330 : memref<1000000x128xf32, #tpu.memory_space<hbm>>) dst(%dma_wait3A_324 : memref<32x128xf32, #tpu.memory_space<vmem>>)
      %ge3A_331 = arith.constant 2 : i32
      %ge3A_332 = arith.cmpi sge, %add3A_294, %ge3A_331 : i32
      %convert_element_type3A_333 = arith.extui %ge3A_332 : i1 to i32
      %cond3A_334 = arith.constant 0 : i32
      %cond3A_335 = arith.cmpi ne, %convert_element_type3A_333, %cond3A_334 : i32
      scf.if %cond3A_335 {
        %add3A_500 = arith.addi %mul3A_34, %add3A_294 : i32
        %sub3A_501 = arith.constant 2 : i32
        %sub3A_502 = arith.subi %add3A_500, %sub3A_501 : i32
        %dma_wait3A_503 = arith.constant 0 : i32
        %dma_wait3A_504 = arith.constant 0 : i32
        %dma_wait3A_505 = tpu.memref_slice %arg11[%dma_wait3A_503, %dma_wait3A_504] : memref<64x129xf32, #tpu.memory_space<vmem>> -> memref<64x128xf32, #tpu.memory_space<vmem>>
        %dma_wait3A_506 = arith.constant 0 : i32
        %dma_wait3A_507 = tpu.memref_slice %arg4[%sub3A_502, %dma_wait3A_506, %mul3A_11] : memref<200x64x4096xf32, #tpu.memory_space<hbm>> -> memref<1x64x128xf32, #tpu.memory_space<hbm>>
        %dma_wait3A_508 = tpu.memref_squeeze %dma_wait3A_507 : memref<1x64x128xf32, #tpu.memory_space<hbm>> -> memref<64x128xf32, #tpu.memory_space<hbm>>
        %dma_wait3A_509 = arith.constant 0 : i32
        %dma_wait3A_510 = tpu.memref_slice %arg4[%sub3A_502, %dma_wait3A_509, %mul3A_11] : memref<200x64x4096xf32, #tpu.memory_space<hbm>> -> memref<1x64x128xf32, #tpu.memory_space<hbm>>
        %dma_wait3A_511 = tpu.memref_squeeze %dma_wait3A_510 : memref<1x64x128xf32, #tpu.memory_space<hbm>> -> memref<64x128xf32, #tpu.memory_space<hbm>>
        %dma_wait3A_512 = arith.constant 0 : i32
        %dma_wait3A_513 = arith.constant 0 : i32
        %dma_wait3A_514 = tpu.memref_slice %arg11[%dma_wait3A_512, %dma_wait3A_513] : memref<64x129xf32, #tpu.memory_space<vmem>> -> memref<64x128xf32, #tpu.memory_space<vmem>>
        tpu.wait_dma2 semaphore(%arg17 : memref<!tpu.dma_semaphore, #tpu.memory_space<semaphore_mem>>) src(%dma_wait3A_514 : memref<64x128xf32, #tpu.memory_space<vmem>>) dst(%dma_wait3A_511 : memref<64x128xf32, #tpu.memory_space<hbm>>)
      } else {
      }
      %broadcast_in_dim3A_336 = arith.constant 0 : i32
      %broadcast_in_dim3A_337 = vector.broadcast %broadcast_in_dim3A_336 : i32 to vector<16xi32>
      %iota3A_338 = tpu.iota {dimensions = array<i32: 0>} : vector<16xi32>
      %parallel_loop3A_339 = arith.constant 0 : i32
      %parallel_loop3A_340 = arith.constant 128 : i32
      %parallel_loop3A_341 = arith.constant 2 : i32
      scf.for %parallel_loop3A_500 = %parallel_loop3A_339 to %parallel_loop3A_340 step %parallel_loop3A_341  : i32 {
        %parallel_loop3A_501 = arith.constant 0 : i32
        %parallel_loop3A_502 = arith.addi %parallel_loop3A_500, %parallel_loop3A_501 : i32
        %parallel_loop3A_503 = arith.index_cast %parallel_loop3A_502 : i32 to index
        %parallel_loop3A_504 = arith.constant 0 : index
        %parallel_loop3A_505 = tpu.vector_load %arg7[%parallel_loop3A_503, %parallel_loop3A_504] {strides = array<i32>} : memref<128x128xf32, #tpu.memory_space<vmem>>, vector<16xf32>,
        %parallel_loop3A_506 = arith.constant 0 : i32
        %parallel_loop3A_507 = arith.addi %parallel_loop3A_500, %parallel_loop3A_506 : i32
        %parallel_loop3A_508 = arith.index_cast %parallel_loop3A_507 : i32 to index
        %parallel_loop3A_509 = arith.constant 16 : index
        %parallel_loop3A_510 = tpu.vector_load %arg7[%parallel_loop3A_508, %parallel_loop3A_509] {strides = array<i32>} : memref<128x128xf32, #tpu.memory_space<vmem>>, vector<16xf32>,
        %parallel_loop3A_511 = arith.constant 0 : i32
        %parallel_loop3A_512 = arith.addi %parallel_loop3A_500, %parallel_loop3A_511 : i32
        %parallel_loop3A_513 = arith.index_cast %parallel_loop3A_512 : i32 to index
        %parallel_loop3A_514 = arith.constant 32 : index
        %parallel_loop3A_515 = tpu.vector_load %arg7[%parallel_loop3A_513, %parallel_loop3A_514] {strides = array<i32>} : memref<128x128xf32, #tpu.memory_space<vmem>>, vector<16xf32>,
        %parallel_loop3A_516 = arith.constant 0 : i32
        %parallel_loop3A_517 = arith.addi %parallel_loop3A_500, %parallel_loop3A_516 : i32
        %parallel_loop3A_518 = arith.index_cast %parallel_loop3A_517 : i32 to index
        %parallel_loop3A_519 = arith.constant 48 : index
        %parallel_loop3A_520 = tpu.vector_load %arg7[%parallel_loop3A_518, %parallel_loop3A_519] {strides = array<i32>} : memref<128x128xf32, #tpu.memory_space<vmem>>, vector<16xf32>,
        %parallel_loop3A_521 = arith.constant 1 : i32
        %parallel_loop3A_522 = arith.addi %parallel_loop3A_500, %parallel_loop3A_521 : i32
        %parallel_loop3A_523 = arith.index_cast %parallel_loop3A_522 : i32 to index
        %parallel_loop3A_524 = arith.constant 0 : index
        %parallel_loop3A_525 = tpu.vector_load %arg7[%parallel_loop3A_523, %parallel_loop3A_524] {strides = array<i32>} : memref<128x128xf32, #tpu.memory_space<vmem>>, vector<16xf32>,
        %parallel_loop3A_526 = arith.constant 1 : i32
        %parallel_loop3A_527 = arith.addi %parallel_loop3A_500, %parallel_loop3A_526 : i32
        %parallel_loop3A_528 = arith.index_cast %parallel_loop3A_527 : i32 to index
        %parallel_loop3A_529 = arith.constant 16 : index
        %parallel_loop3A_530 = tpu.vector_load %arg7[%parallel_loop3A_528, %parallel_loop3A_529] {strides = array<i32>} : memref<128x128xf32, #tpu.memory_space<vmem>>, vector<16xf32>,
        %parallel_loop3A_531 = arith.constant 1 : i32
        %parallel_loop3A_532 = arith.addi %parallel_loop3A_500, %parallel_loop3A_531 : i32
        %parallel_loop3A_533 = arith.index_cast %parallel_loop3A_532 : i32 to index
        %parallel_loop3A_534 = arith.constant 32 : index
        %parallel_loop3A_535 = tpu.vector_load %arg7[%parallel_loop3A_533, %parallel_loop3A_534] {strides = array<i32>} : memref<128x128xf32, #tpu.memory_space<vmem>>, vector<16xf32>,
        %parallel_loop3A_536 = arith.constant 1 : i32
        %parallel_loop3A_537 = arith.addi %parallel_loop3A_500, %parallel_loop3A_536 : i32
        %parallel_loop3A_538 = arith.index_cast %parallel_loop3A_537 : i32 to index
        %parallel_loop3A_539 = arith.constant 48 : index
        %parallel_loop3A_540 = tpu.vector_load %arg7[%parallel_loop3A_538, %parallel_loop3A_539] {strides = array<i32>} : memref<128x128xf32, #tpu.memory_space<vmem>>, vector<16xf32>,
        %parallel_loop3A_541 = arith.constant 0 : i32
        %parallel_loop3A_542 = arith.addi %parallel_loop3A_500, %parallel_loop3A_541 : i32
        %parallel_loop3A_543 = vector.broadcast %parallel_loop3A_542 : i32 to vector<16xi32>
        %parallel_loop3A_544 = arith.addi %broadcast_in_dim3A_337, %parallel_loop3A_543 : vector<16xi32>
        %parallel_loop3A_545 = arith.constant 0 : i32
        %parallel_loop3A_546 = vector.broadcast %parallel_loop3A_545 : i32 to vector<16xi32>
        %parallel_loop3A_547 = arith.addi %iota3A_338, %parallel_loop3A_546 : vector<16xi32>
        tpu.vector_store_idx %arg11[%parallel_loop3A_547, %parallel_loop3A_544], %parallel_loop3A_505 : memref<64x129xf32, #tpu.memory_space<vmem>>[vector<16xi32>, vector<16xi32>], vector<16xf32>,
        %parallel_loop3A_548 = arith.constant 16 : i32
        %parallel_loop3A_549 = vector.broadcast %parallel_loop3A_548 : i32 to vector<16xi32>
        %parallel_loop3A_550 = arith.addi %iota3A_338, %parallel_loop3A_549 : vector<16xi32>
        tpu.vector_store_idx %arg11[%parallel_loop3A_550, %parallel_loop3A_544], %parallel_loop3A_510 : memref<64x129xf32, #tpu.memory_space<vmem>>[vector<16xi32>, vector<16xi32>], vector<16xf32>,
        %parallel_loop3A_551 = arith.constant 32 : i32
        %parallel_loop3A_552 = vector.broadcast %parallel_loop3A_551 : i32 to vector<16xi32>
        %parallel_loop3A_553 = arith.addi %iota3A_338, %parallel_loop3A_552 : vector<16xi32>
        tpu.vector_store_idx %arg11[%parallel_loop3A_553, %parallel_loop3A_544], %parallel_loop3A_515 : memref<64x129xf32, #tpu.memory_space<vmem>>[vector<16xi32>, vector<16xi32>], vector<16xf32>,
        %parallel_loop3A_554 = arith.constant 48 : i32
        %parallel_loop3A_555 = vector.broadcast %parallel_loop3A_554 : i32 to vector<16xi32>
        %parallel_loop3A_556 = arith.addi %iota3A_338, %parallel_loop3A_555 : vector<16xi32>
        tpu.vector_store_idx %arg11[%parallel_loop3A_556, %parallel_loop3A_544], %parallel_loop3A_520 : memref<64x129xf32, #tpu.memory_space<vmem>>[vector<16xi32>, vector<16xi32>], vector<16xf32>,
        %parallel_loop3A_557 = arith.constant 1 : i32
        %parallel_loop3A_558 = arith.addi %parallel_loop3A_500, %parallel_loop3A_557 : i32
        %parallel_loop3A_559 = vector.broadcast %parallel_loop3A_558 : i32 to vector<16xi32>
        %parallel_loop3A_560 = arith.addi %broadcast_in_dim3A_337, %parallel_loop3A_559 : vector<16xi32>
        %parallel_loop3A_561 = arith.constant 0 : i32
        %parallel_loop3A_562 = vector.broadcast %parallel_loop3A_561 : i32 to vector<16xi32>
        %parallel_loop3A_563 = arith.addi %iota3A_338, %parallel_loop3A_562 : vector<16xi32>
        tpu.vector_store_idx %arg11[%parallel_loop3A_563, %parallel_loop3A_560], %parallel_loop3A_525 : memref<64x129xf32, #tpu.memory_space<vmem>>[vector<16xi32>, vector<16xi32>], vector<16xf32>,
        %parallel_loop3A_564 = arith.constant 16 : i32
        %parallel_loop3A_565 = vector.broadcast %parallel_loop3A_564 : i32 to vector<16xi32>
        %parallel_loop3A_566 = arith.addi %iota3A_338, %parallel_loop3A_565 : vector<16xi32>
        tpu.vector_store_idx %arg11[%parallel_loop3A_566, %parallel_loop3A_560], %parallel_loop3A_530 : memref<64x129xf32, #tpu.memory_space<vmem>>[vector<16xi32>, vector<16xi32>], vector<16xf32>,
        %parallel_loop3A_567 = arith.constant 32 : i32
        %parallel_loop3A_568 = vector.broadcast %parallel_loop3A_567 : i32 to vector<16xi32>
        %parallel_loop3A_569 = arith.addi %iota3A_338, %parallel_loop3A_568 : vector<16xi32>
        tpu.vector_store_idx %arg11[%parallel_loop3A_569, %parallel_loop3A_560], %parallel_loop3A_535 : memref<64x129xf32, #tpu.memory_space<vmem>>[vector<16xi32>, vector<16xi32>], vector<16xf32>,
        %parallel_loop3A_570 = arith.constant 48 : i32
        %parallel_loop3A_571 = vector.broadcast %parallel_loop3A_570 : i32 to vector<16xi32>
        %parallel_loop3A_572 = arith.addi %iota3A_338, %parallel_loop3A_571 : vector<16xi32>
        tpu.vector_store_idx %arg11[%parallel_loop3A_572, %parallel_loop3A_560], %parallel_loop3A_540 : memref<64x129xf32, #tpu.memory_space<vmem>>[vector<16xi32>, vector<16xi32>], vector<16xf32>,
      } {sc.loop_unroll_factor = 2 : i64, sc.parallel_access}
      %add3A_342 = arith.constant 4 : i32
      %add3A_343 = arith.addi %add3A_294, %add3A_342 : i32
      %lt3A_344 = arith.constant 200 : i32
      %lt3A_345 = arith.cmpi slt, %add3A_343, %lt3A_344 : i32
      %convert_element_type3A_346 = arith.extui %lt3A_345 : i1 to i32
      %cond3A_347 = arith.constant 0 : i32
      %cond3A_348 = arith.cmpi ne, %convert_element_type3A_346, %cond3A_347 : i32
      scf.if %cond3A_348 {
        %add3A_500 = arith.constant 4 : i32
        %add3A_501 = arith.addi %add3A_294, %add3A_500 : i32
        %dma_start3A_502 = arith.constant 0 : i32
        %dma_start3A_503 = arith.constant 0 : i32
        %dma_start3A_504 = tpu.memref_slice %arg7[%dma_start3A_502, %dma_start3A_503] : memref<128x128xf32, #tpu.memory_space<vmem>> -> memref<32x128xf32, #tpu.memory_space<vmem>>
        %dma_start3A_505 = arith.constant 0 : i32
        %dma_start3A_506 = tpu.memref_slice %arg5[%add3A_501, %dma_start3A_505] : memref<200x128xi32, #tpu.memory_space<vmem>> -> memref<1x32xi32, #tpu.memory_space<vmem>>
        %dma_start3A_507 = tpu.memref_squeeze %dma_start3A_506 : memref<1x32xi32, #tpu.memory_space<vmem>> -> memref<32xi32, #tpu.memory_space<vmem>>
        %dma_start3A_508 = arith.constant 0 : i32
        %dma_start3A_509 = arith.constant 0 : i32
        %dma_start3A_510 = tpu.memref_slice %arg3[%dma_start3A_508, %dma_start3A_509] : memref<1000000x128xf32, #tpu.memory_space<hbm>> -> memref<1000000x128xf32, #tpu.memory_space<hbm>>
        tpu.enqueue_indirect_dma source(%dma_start3A_510 : memref<1000000x128xf32, #tpu.memory_space<hbm>>) target(%dma_start3A_504 : memref<32x128xf32, #tpu.memory_space<vmem>>) offsets(%dma_start3A_507 : memref<32xi32, #tpu.memory_space<vmem>>) semaphore(%arg13 : memref<!tpu.dma_semaphore, #tpu.memory_space<semaphore_mem>>)
        %dma_start3A_511 = arith.constant 32 : i32
        %dma_start3A_512 = arith.constant 0 : i32
        %dma_start3A_513 = tpu.memref_slice %arg7[%dma_start3A_511, %dma_start3A_512] : memref<128x128xf32, #tpu.memory_space<vmem>> -> memref<32x128xf32, #tpu.memory_space<vmem>>
        %dma_start3A_514 = arith.constant 32 : i32
        %dma_start3A_515 = tpu.memref_slice %arg5[%add3A_501, %dma_start3A_514] : memref<200x128xi32, #tpu.memory_space<vmem>> -> memref<1x32xi32, #tpu.memory_space<vmem>>
        %dma_start3A_516 = tpu.memref_squeeze %dma_start3A_515 : memref<1x32xi32, #tpu.memory_space<vmem>> -> memref<32xi32, #tpu.memory_space<vmem>>
        %dma_start3A_517 = arith.constant 0 : i32
        %dma_start3A_518 = arith.constant 0 : i32
        %dma_start3A_519 = tpu.memref_slice %arg3[%dma_start3A_517, %dma_start3A_518] : memref<1000000x128xf32, #tpu.memory_space<hbm>> -> memref<1000000x128xf32, #tpu.memory_space<hbm>>
        tpu.enqueue_indirect_dma source(%dma_start3A_519 : memref<1000000x128xf32, #tpu.memory_space<hbm>>) target(%dma_start3A_513 : memref<32x128xf32, #tpu.memory_space<vmem>>) offsets(%dma_start3A_516 : memref<32xi32, #tpu.memory_space<vmem>>) semaphore(%arg13 : memref<!tpu.dma_semaphore, #tpu.memory_space<semaphore_mem>>)
        %dma_start3A_520 = arith.constant 64 : i32
        %dma_start3A_521 = arith.constant 0 : i32
        %dma_start3A_522 = tpu.memref_slice %arg7[%dma_start3A_520, %dma_start3A_521] : memref<128x128xf32, #tpu.memory_space<vmem>> -> memref<32x128xf32, #tpu.memory_space<vmem>>
        %dma_start3A_523 = arith.constant 64 : i32
        %dma_start3A_524 = tpu.memref_slice %arg5[%add3A_501, %dma_start3A_523] : memref<200x128xi32, #tpu.memory_space<vmem>> -> memref<1x32xi32, #tpu.memory_space<vmem>>
        %dma_start3A_525 = tpu.memref_squeeze %dma_start3A_524 : memref<1x32xi32, #tpu.memory_space<vmem>> -> memref<32xi32, #tpu.memory_space<vmem>>
        %dma_start3A_526 = arith.constant 0 : i32
        %dma_start3A_527 = arith.constant 0 : i32
        %dma_start3A_528 = tpu.memref_slice %arg3[%dma_start3A_526, %dma_start3A_527] : memref<1000000x128xf32, #tpu.memory_space<hbm>> -> memref<1000000x128xf32, #tpu.memory_space<hbm>>
        tpu.enqueue_indirect_dma source(%dma_start3A_528 : memref<1000000x128xf32, #tpu.memory_space<hbm>>) target(%dma_start3A_522 : memref<32x128xf32, #tpu.memory_space<vmem>>) offsets(%dma_start3A_525 : memref<32xi32, #tpu.memory_space<vmem>>) semaphore(%arg13 : memref<!tpu.dma_semaphore, #tpu.memory_space<semaphore_mem>>)
        %dma_start3A_529 = arith.constant 96 : i32
        %dma_start3A_530 = arith.constant 0 : i32
        %dma_start3A_531 = tpu.memref_slice %arg7[%dma_start3A_529, %dma_start3A_530] : memref<128x128xf32, #tpu.memory_space<vmem>> -> memref<32x128xf32, #tpu.memory_space<vmem>>
        %dma_start3A_532 = arith.constant 96 : i32
        %dma_start3A_533 = tpu.memref_slice %arg5[%add3A_501, %dma_start3A_532] : memref<200x128xi32, #tpu.memory_space<vmem>> -> memref<1x32xi32, #tpu.memory_space<vmem>>
        %dma_start3A_534 = tpu.memref_squeeze %dma_start3A_533 : memref<1x32xi32, #tpu.memory_space<vmem>> -> memref<32xi32, #tpu.memory_space<vmem>>
        %dma_start3A_535 = arith.constant 0 : i32
        %dma_start3A_536 = arith.constant 0 : i32
        %dma_start3A_537 = tpu.memref_slice %arg3[%dma_start3A_535, %dma_start3A_536] : memref<1000000x128xf32, #tpu.memory_space<hbm>> -> memref<1000000x128xf32, #tpu.memory_space<hbm>>
        tpu.enqueue_indirect_dma source(%dma_start3A_537 : memref<1000000x128xf32, #tpu.memory_space<hbm>>) target(%dma_start3A_531 : memref<32x128xf32, #tpu.memory_space<vmem>>) offsets(%dma_start3A_534 : memref<32xi32, #tpu.memory_space<vmem>>) semaphore(%arg13 : memref<!tpu.dma_semaphore, #tpu.memory_space<semaphore_mem>>)
      } else {
      }
      %add3A_349 = arith.addi %mul3A_34, %add3A_294 : i32
      %dma_start3A_350 = arith.constant 0 : i32
      %dma_start3A_351 = arith.constant 0 : i32
      %dma_start3A_352 = tpu.memref_slice %arg11[%dma_start3A_350, %dma_start3A_351] : memref<64x129xf32, #tpu.memory_space<vmem>> -> memref<64x128xf32, #tpu.memory_space<vmem>>
      %dma_start3A_353 = arith.constant 0 : i32
      %dma_start3A_354 = tpu.memref_slice %arg4[%add3A_349, %dma_start3A_353, %mul3A_11] : memref<200x64x4096xf32, #tpu.memory_space<hbm>> -> memref<1x64x128xf32, #tpu.memory_space<hbm>>
      %dma_start3A_355 = tpu.memref_squeeze %dma_start3A_354 : memref<1x64x128xf32, #tpu.memory_space<hbm>> -> memref<64x128xf32, #tpu.memory_space<hbm>>
      %dma_start3A_356 = arith.constant 0 : i32
      %dma_start3A_357 = tpu.memref_slice %arg4[%add3A_349, %dma_start3A_356, %mul3A_11] : memref<200x64x4096xf32, #tpu.memory_space<hbm>> -> memref<1x64x128xf32, #tpu.memory_space<hbm>>
      %dma_start3A_358 = tpu.memref_squeeze %dma_start3A_357 : memref<1x64x128xf32, #tpu.memory_space<hbm>> -> memref<64x128xf32, #tpu.memory_space<hbm>>
      %dma_start3A_359 = arith.constant 0 : i32
      %dma_start3A_360 = arith.constant 0 : i32
      %dma_start3A_361 = tpu.memref_slice %arg11[%dma_start3A_359, %dma_start3A_360] : memref<64x129xf32, #tpu.memory_space<vmem>> -> memref<64x128xf32, #tpu.memory_space<vmem>>
      tpu.enqueue_dma source(%dma_start3A_361 : memref<64x128xf32, #tpu.memory_space<vmem>>) target(%dma_start3A_358 : memref<64x128xf32, #tpu.memory_space<hbm>>) target_semaphore(%arg17 : memref<!tpu.dma_semaphore, #tpu.memory_space<semaphore_mem>>)
      %add3A_362 = arith.constant 2 : i32
      %add3A_363 = arith.addi %add3A_229, %add3A_362 : i32
      %dma_wait3A_364 = arith.constant 0 : i32
      %dma_wait3A_365 = arith.constant 0 : i32
      %dma_wait3A_366 = tpu.memref_slice %arg8[%dma_wait3A_364, %dma_wait3A_365] : memref<128x128xf32, #tpu.memory_space<vmem>> -> memref<32x128xf32, #tpu.memory_space<vmem>>
      %dma_wait3A_367 = arith.constant 0 : i32
      %dma_wait3A_368 = tpu.memref_slice %arg5[%add3A_363, %dma_wait3A_367] : memref<200x128xi32, #tpu.memory_space<vmem>> -> memref<1x32xi32, #tpu.memory_space<vmem>>
      %dma_wait3A_369 = tpu.memref_squeeze %dma_wait3A_368 : memref<1x32xi32, #tpu.memory_space<vmem>> -> memref<32xi32, #tpu.memory_space<vmem>>
      %dma_wait3A_370 = arith.constant 0 : i32
      %dma_wait3A_371 = arith.constant 0 : i32
      %dma_wait3A_372 = tpu.memref_slice %arg3[%dma_wait3A_370, %dma_wait3A_371] : memref<1000000x128xf32, #tpu.memory_space<hbm>> -> memref<1000000x128xf32, #tpu.memory_space<hbm>>
      tpu.wait_indirect_dma semaphore(%arg14 : memref<!tpu.dma_semaphore, #tpu.memory_space<semaphore_mem>>) src(%dma_wait3A_372 : memref<1000000x128xf32, #tpu.memory_space<hbm>>) dst(%dma_wait3A_366 : memref<32x128xf32, #tpu.memory_space<vmem>>)
      %dma_wait3A_373 = arith.constant 32 : i32
      %dma_wait3A_374 = arith.constant 0 : i32
      %dma_wait3A_375 = tpu.memref_slice %arg8[%dma_wait3A_373, %dma_wait3A_374] : memref<128x128xf32, #tpu.memory_space<vmem>> -> memref<32x128xf32, #tpu.memory_space<vmem>>
      %dma_wait3A_376 = arith.constant 32 : i32
      %dma_wait3A_377 = tpu.memref_slice %arg5[%add3A_363, %dma_wait3A_376] : memref<200x128xi32, #tpu.memory_space<vmem>> -> memref<1x32xi32, #tpu.memory_space<vmem>>
      %dma_wait3A_378 = tpu.memref_squeeze %dma_wait3A_377 : memref<1x32xi32, #tpu.memory_space<vmem>> -> memref<32xi32, #tpu.memory_space<vmem>>
      %dma_wait3A_379 = arith.constant 0 : i32
      %dma_wait3A_380 = arith.constant 0 : i32
      %dma_wait3A_381 = tpu.memref_slice %arg3[%dma_wait3A_379, %dma_wait3A_380] : memref<1000000x128xf32, #tpu.memory_space<hbm>> -> memref<1000000x128xf32, #tpu.memory_space<hbm>>
      tpu.wait_indirect_dma semaphore(%arg14 : memref<!tpu.dma_semaphore, #tpu.memory_space<semaphore_mem>>) src(%dma_wait3A_381 : memref<1000000x128xf32, #tpu.memory_space<hbm>>) dst(%dma_wait3A_375 : memref<32x128xf32, #tpu.memory_space<vmem>>)
      %dma_wait3A_382 = arith.constant 64 : i32
      %dma_wait3A_383 = arith.constant 0 : i32
      %dma_wait3A_384 = tpu.memref_slice %arg8[%dma_wait3A_382, %dma_wait3A_383] : memref<128x128xf32, #tpu.memory_space<vmem>> -> memref<32x128xf32, #tpu.memory_space<vmem>>
      %dma_wait3A_385 = arith.constant 64 : i32
      %dma_wait3A_386 = tpu.memref_slice %arg5[%add3A_363, %dma_wait3A_385] : memref<200x128xi32, #tpu.memory_space<vmem>> -> memref<1x32xi32, #tpu.memory_space<vmem>>
      %dma_wait3A_387 = tpu.memref_squeeze %dma_wait3A_386 : memref<1x32xi32, #tpu.memory_space<vmem>> -> memref<32xi32, #tpu.memory_space<vmem>>
      %dma_wait3A_388 = arith.constant 0 : i32
      %dma_wait3A_389 = arith.constant 0 : i32
      %dma_wait3A_390 = tpu.memref_slice %arg3[%dma_wait3A_388, %dma_wait3A_389] : memref<1000000x128xf32, #tpu.memory_space<hbm>> -> memref<1000000x128xf32, #tpu.memory_space<hbm>>
      tpu.wait_indirect_dma semaphore(%arg14 : memref<!tpu.dma_semaphore, #tpu.memory_space<semaphore_mem>>) src(%dma_wait3A_390 : memref<1000000x128xf32, #tpu.memory_space<hbm>>) dst(%dma_wait3A_384 : memref<32x128xf32, #tpu.memory_space<vmem>>)
      %dma_wait3A_391 = arith.constant 96 : i32
      %dma_wait3A_392 = arith.constant 0 : i32
      %dma_wait3A_393 = tpu.memref_slice %arg8[%dma_wait3A_391, %dma_wait3A_392] : memref<128x128xf32, #tpu.memory_space<vmem>> -> memref<32x128xf32, #tpu.memory_space<vmem>>
      %dma_wait3A_394 = arith.constant 96 : i32
      %dma_wait3A_395 = tpu.memref_slice %arg5[%add3A_363, %dma_wait3A_394] : memref<200x128xi32, #tpu.memory_space<vmem>> -> memref<1x32xi32, #tpu.memory_space<vmem>>
      %dma_wait3A_396 = tpu.memref_squeeze %dma_wait3A_395 : memref<1x32xi32, #tpu.memory_space<vmem>> -> memref<32xi32, #tpu.memory_space<vmem>>
      %dma_wait3A_397 = arith.constant 0 : i32
      %dma_wait3A_398 = arith.constant 0 : i32
      %dma_wait3A_399 = tpu.memref_slice %arg3[%dma_wait3A_397, %dma_wait3A_398] : memref<1000000x128xf32, #tpu.memory_space<hbm>> -> memref<1000000x128xf32, #tpu.memory_space<hbm>>
      tpu.wait_indirect_dma semaphore(%arg14 : memref<!tpu.dma_semaphore, #tpu.memory_space<semaphore_mem>>) src(%dma_wait3A_399 : memref<1000000x128xf32, #tpu.memory_space<hbm>>) dst(%dma_wait3A_393 : memref<32x128xf32, #tpu.memory_space<vmem>>)
      %ge3A_400 = arith.constant 2 : i32
      %ge3A_401 = arith.cmpi sge, %add3A_363, %ge3A_400 : i32
      %convert_element_type3A_402 = arith.extui %ge3A_401 : i1 to i32
      %cond3A_403 = arith.constant 0 : i32
      %cond3A_404 = arith.cmpi ne, %convert_element_type3A_402, %cond3A_403 : i32
      scf.if %cond3A_404 {
        %add3A_500 = arith.addi %mul3A_34, %add3A_363 : i32
        %sub3A_501 = arith.constant 2 : i32
        %sub3A_502 = arith.subi %add3A_500, %sub3A_501 : i32
        %dma_wait3A_503 = arith.constant 0 : i32
        %dma_wait3A_504 = arith.constant 0 : i32
        %dma_wait3A_505 = tpu.memref_slice %arg10[%dma_wait3A_503, %dma_wait3A_504] : memref<64x129xf32, #tpu.memory_space<vmem>> -> memref<64x128xf32, #tpu.memory_space<vmem>>
        %dma_wait3A_506 = arith.constant 0 : i32
        %dma_wait3A_507 = tpu.memref_slice %arg4[%sub3A_502, %dma_wait3A_506, %mul3A_11] : memref<200x64x4096xf32, #tpu.memory_space<hbm>> -> memref<1x64x128xf32, #tpu.memory_space<hbm>>
        %dma_wait3A_508 = tpu.memref_squeeze %dma_wait3A_507 : memref<1x64x128xf32, #tpu.memory_space<hbm>> -> memref<64x128xf32, #tpu.memory_space<hbm>>
        %dma_wait3A_509 = arith.constant 0 : i32
        %dma_wait3A_510 = tpu.memref_slice %arg4[%sub3A_502, %dma_wait3A_509, %mul3A_11] : memref<200x64x4096xf32, #tpu.memory_space<hbm>> -> memref<1x64x128xf32, #tpu.memory_space<hbm>>
        %dma_wait3A_511 = tpu.memref_squeeze %dma_wait3A_510 : memref<1x64x128xf32, #tpu.memory_space<hbm>> -> memref<64x128xf32, #tpu.memory_space<hbm>>
        %dma_wait3A_512 = arith.constant 0 : i32
        %dma_wait3A_513 = arith.constant 0 : i32
        %dma_wait3A_514 = tpu.memref_slice %arg10[%dma_wait3A_512, %dma_wait3A_513] : memref<64x129xf32, #tpu.memory_space<vmem>> -> memref<64x128xf32, #tpu.memory_space<vmem>>
        tpu.wait_dma2 semaphore(%arg16 : memref<!tpu.dma_semaphore, #tpu.memory_space<semaphore_mem>>) src(%dma_wait3A_514 : memref<64x128xf32, #tpu.memory_space<vmem>>) dst(%dma_wait3A_511 : memref<64x128xf32, #tpu.memory_space<hbm>>)
      } else {
      }
      %broadcast_in_dim3A_405 = arith.constant 0 : i32
      %broadcast_in_dim3A_406 = vector.broadcast %broadcast_in_dim3A_405 : i32 to vector<16xi32>
      %iota3A_407 = tpu.iota {dimensions = array<i32: 0>} : vector<16xi32>
      %parallel_loop3A_408 = arith.constant 0 : i32
      %parallel_loop3A_409 = arith.constant 128 : i32
      %parallel_loop3A_410 = arith.constant 2 : i32
      scf.for %parallel_loop3A_500 = %parallel_loop3A_408 to %parallel_loop3A_409 step %parallel_loop3A_410  : i32 {
        %parallel_loop3A_501 = arith.constant 0 : i32
        %parallel_loop3A_502 = arith.addi %parallel_loop3A_500, %parallel_loop3A_501 : i32
        %parallel_loop3A_503 = arith.index_cast %parallel_loop3A_502 : i32 to index
        %parallel_loop3A_504 = arith.constant 0 : index
        %parallel_loop3A_505 = tpu.vector_load %arg8[%parallel_loop3A_503, %parallel_loop3A_504] {strides = array<i32>} : memref<128x128xf32, #tpu.memory_space<vmem>>, vector<16xf32>,
        %parallel_loop3A_506 = arith.constant 0 : i32
        %parallel_loop3A_507 = arith.addi %parallel_loop3A_500, %parallel_loop3A_506 : i32
        %parallel_loop3A_508 = arith.index_cast %parallel_loop3A_507 : i32 to index
        %parallel_loop3A_509 = arith.constant 16 : index
        %parallel_loop3A_510 = tpu.vector_load %arg8[%parallel_loop3A_508, %parallel_loop3A_509] {strides = array<i32>} : memref<128x128xf32, #tpu.memory_space<vmem>>, vector<16xf32>,
        %parallel_loop3A_511 = arith.constant 0 : i32
        %parallel_loop3A_512 = arith.addi %parallel_loop3A_500, %parallel_loop3A_511 : i32
        %parallel_loop3A_513 = arith.index_cast %parallel_loop3A_512 : i32 to index
        %parallel_loop3A_514 = arith.constant 32 : index
        %parallel_loop3A_515 = tpu.vector_load %arg8[%parallel_loop3A_513, %parallel_loop3A_514] {strides = array<i32>} : memref<128x128xf32, #tpu.memory_space<vmem>>, vector<16xf32>,
        %parallel_loop3A_516 = arith.constant 0 : i32
        %parallel_loop3A_517 = arith.addi %parallel_loop3A_500, %parallel_loop3A_516 : i32
        %parallel_loop3A_518 = arith.index_cast %parallel_loop3A_517 : i32 to index
        %parallel_loop3A_519 = arith.constant 48 : index
        %parallel_loop3A_520 = tpu.vector_load %arg8[%parallel_loop3A_518, %parallel_loop3A_519] {strides = array<i32>} : memref<128x128xf32, #tpu.memory_space<vmem>>, vector<16xf32>,
        %parallel_loop3A_521 = arith.constant 1 : i32
        %parallel_loop3A_522 = arith.addi %parallel_loop3A_500, %parallel_loop3A_521 : i32
        %parallel_loop3A_523 = arith.index_cast %parallel_loop3A_522 : i32 to index
        %parallel_loop3A_524 = arith.constant 0 : index
        %parallel_loop3A_525 = tpu.vector_load %arg8[%parallel_loop3A_523, %parallel_loop3A_524] {strides = array<i32>} : memref<128x128xf32, #tpu.memory_space<vmem>>, vector<16xf32>,
        %parallel_loop3A_526 = arith.constant 1 : i32
        %parallel_loop3A_527 = arith.addi %parallel_loop3A_500, %parallel_loop3A_526 : i32
        %parallel_loop3A_528 = arith.index_cast %parallel_loop3A_527 : i32 to index
        %parallel_loop3A_529 = arith.constant 16 : index
        %parallel_loop3A_530 = tpu.vector_load %arg8[%parallel_loop3A_528, %parallel_loop3A_529] {strides = array<i32>} : memref<128x128xf32, #tpu.memory_space<vmem>>, vector<16xf32>,
        %parallel_loop3A_531 = arith.constant 1 : i32
        %parallel_loop3A_532 = arith.addi %parallel_loop3A_500, %parallel_loop3A_531 : i32
        %parallel_loop3A_533 = arith.index_cast %parallel_loop3A_532 : i32 to index
        %parallel_loop3A_534 = arith.constant 32 : index
        %parallel_loop3A_535 = tpu.vector_load %arg8[%parallel_loop3A_533, %parallel_loop3A_534] {strides = array<i32>} : memref<128x128xf32, #tpu.memory_space<vmem>>, vector<16xf32>,
        %parallel_loop3A_536 = arith.constant 1 : i32
        %parallel_loop3A_537 = arith.addi %parallel_loop3A_500, %parallel_loop3A_536 : i32
        %parallel_loop3A_538 = arith.index_cast %parallel_loop3A_537 : i32 to index
        %parallel_loop3A_539 = arith.constant 48 : index
        %parallel_loop3A_540 = tpu.vector_load %arg8[%parallel_loop3A_538, %parallel_loop3A_539] {strides = array<i32>} : memref<128x128xf32, #tpu.memory_space<vmem>>, vector<16xf32>,
        %parallel_loop3A_541 = arith.constant 0 : i32
        %parallel_loop3A_542 = arith.addi %parallel_loop3A_500, %parallel_loop3A_541 : i32
        %parallel_loop3A_543 = vector.broadcast %parallel_loop3A_542 : i32 to vector<16xi32>
        %parallel_loop3A_544 = arith.addi %broadcast_in_dim3A_406, %parallel_loop3A_543 : vector<16xi32>
        %parallel_loop3A_545 = arith.constant 0 : i32
        %parallel_loop3A_546 = vector.broadcast %parallel_loop3A_545 : i32 to vector<16xi32>
        %parallel_loop3A_547 = arith.addi %iota3A_407, %parallel_loop3A_546 : vector<16xi32>
        tpu.vector_store_idx %arg10[%parallel_loop3A_547, %parallel_loop3A_544], %parallel_loop3A_505 : memref<64x129xf32, #tpu.memory_space<vmem>>[vector<16xi32>, vector<16xi32>], vector<16xf32>,
        %parallel_loop3A_548 = arith.constant 16 : i32
        %parallel_loop3A_549 = vector.broadcast %parallel_loop3A_548 : i32 to vector<16xi32>
        %parallel_loop3A_550 = arith.addi %iota3A_407, %parallel_loop3A_549 : vector<16xi32>
        tpu.vector_store_idx %arg10[%parallel_loop3A_550, %parallel_loop3A_544], %parallel_loop3A_510 : memref<64x129xf32, #tpu.memory_space<vmem>>[vector<16xi32>, vector<16xi32>], vector<16xf32>,
        %parallel_loop3A_551 = arith.constant 32 : i32
        %parallel_loop3A_552 = vector.broadcast %parallel_loop3A_551 : i32 to vector<16xi32>
        %parallel_loop3A_553 = arith.addi %iota3A_407, %parallel_loop3A_552 : vector<16xi32>
        tpu.vector_store_idx %arg10[%parallel_loop3A_553, %parallel_loop3A_544], %parallel_loop3A_515 : memref<64x129xf32, #tpu.memory_space<vmem>>[vector<16xi32>, vector<16xi32>], vector<16xf32>,
        %parallel_loop3A_554 = arith.constant 48 : i32
        %parallel_loop3A_555 = vector.broadcast %parallel_loop3A_554 : i32 to vector<16xi32>
        %parallel_loop3A_556 = arith.addi %iota3A_407, %parallel_loop3A_555 : vector<16xi32>
        tpu.vector_store_idx %arg10[%parallel_loop3A_556, %parallel_loop3A_544], %parallel_loop3A_520 : memref<64x129xf32, #tpu.memory_space<vmem>>[vector<16xi32>, vector<16xi32>], vector<16xf32>,
        %parallel_loop3A_557 = arith.constant 1 : i32
        %parallel_loop3A_558 = arith.addi %parallel_loop3A_500, %parallel_loop3A_557 : i32
        %parallel_loop3A_559 = vector.broadcast %parallel_loop3A_558 : i32 to vector<16xi32>
        %parallel_loop3A_560 = arith.addi %broadcast_in_dim3A_406, %parallel_loop3A_559 : vector<16xi32>
        %parallel_loop3A_561 = arith.constant 0 : i32
        %parallel_loop3A_562 = vector.broadcast %parallel_loop3A_561 : i32 to vector<16xi32>
        %parallel_loop3A_563 = arith.addi %iota3A_407, %parallel_loop3A_562 : vector<16xi32>
        tpu.vector_store_idx %arg10[%parallel_loop3A_563, %parallel_loop3A_560], %parallel_loop3A_525 : memref<64x129xf32, #tpu.memory_space<vmem>>[vector<16xi32>, vector<16xi32>], vector<16xf32>,
        %parallel_loop3A_564 = arith.constant 16 : i32
        %parallel_loop3A_565 = vector.broadcast %parallel_loop3A_564 : i32 to vector<16xi32>
        %parallel_loop3A_566 = arith.addi %iota3A_407, %parallel_loop3A_565 : vector<16xi32>
        tpu.vector_store_idx %arg10[%parallel_loop3A_566, %parallel_loop3A_560], %parallel_loop3A_530 : memref<64x129xf32, #tpu.memory_space<vmem>>[vector<16xi32>, vector<16xi32>], vector<16xf32>,
        %parallel_loop3A_567 = arith.constant 32 : i32
        %parallel_loop3A_568 = vector.broadcast %parallel_loop3A_567 : i32 to vector<16xi32>
        %parallel_loop3A_569 = arith.addi %iota3A_407, %parallel_loop3A_568 : vector<16xi32>
        tpu.vector_store_idx %arg10[%parallel_loop3A_569, %parallel_loop3A_560], %parallel_loop3A_535 : memref<64x129xf32, #tpu.memory_space<vmem>>[vector<16xi32>, vector<16xi32>], vector<16xf32>,
        %parallel_loop3A_570 = arith.constant 48 : i32
        %parallel_loop3A_571 = vector.broadcast %parallel_loop3A_570 : i32 to vector<16xi32>
        %parallel_loop3A_572 = arith.addi %iota3A_407, %parallel_loop3A_571 : vector<16xi32>
        tpu.vector_store_idx %arg10[%parallel_loop3A_572, %parallel_loop3A_560], %parallel_loop3A_540 : memref<64x129xf32, #tpu.memory_space<vmem>>[vector<16xi32>, vector<16xi32>], vector<16xf32>,
      } {sc.loop_unroll_factor = 2 : i64, sc.parallel_access}
      %add3A_411 = arith.constant 4 : i32
      %add3A_412 = arith.addi %add3A_363, %add3A_411 : i32
      %lt3A_413 = arith.constant 200 : i32
      %lt3A_414 = arith.cmpi slt, %add3A_412, %lt3A_413 : i32
      %convert_element_type3A_415 = arith.extui %lt3A_414 : i1 to i32
      %cond3A_416 = arith.constant 0 : i32
      %cond3A_417 = arith.cmpi ne, %convert_element_type3A_415, %cond3A_416 : i32
      scf.if %cond3A_417 {
        %add3A_500 = arith.constant 4 : i32
        %add3A_501 = arith.addi %add3A_363, %add3A_500 : i32
        %dma_start3A_502 = arith.constant 0 : i32
        %dma_start3A_503 = arith.constant 0 : i32
        %dma_start3A_504 = tpu.memref_slice %arg8[%dma_start3A_502, %dma_start3A_503] : memref<128x128xf32, #tpu.memory_space<vmem>> -> memref<32x128xf32, #tpu.memory_space<vmem>>
        %dma_start3A_505 = arith.constant 0 : i32
        %dma_start3A_506 = tpu.memref_slice %arg5[%add3A_501, %dma_start3A_505] : memref<200x128xi32, #tpu.memory_space<vmem>> -> memref<1x32xi32, #tpu.memory_space<vmem>>
        %dma_start3A_507 = tpu.memref_squeeze %dma_start3A_506 : memref<1x32xi32, #tpu.memory_space<vmem>> -> memref<32xi32, #tpu.memory_space<vmem>>
        %dma_start3A_508 = arith.constant 0 : i32
        %dma_start3A_509 = arith.constant 0 : i32
        %dma_start3A_510 = tpu.memref_slice %arg3[%dma_start3A_508, %dma_start3A_509] : memref<1000000x128xf32, #tpu.memory_space<hbm>> -> memref<1000000x128xf32, #tpu.memory_space<hbm>>
        tpu.enqueue_indirect_dma source(%dma_start3A_510 : memref<1000000x128xf32, #tpu.memory_space<hbm>>) target(%dma_start3A_504 : memref<32x128xf32, #tpu.memory_space<vmem>>) offsets(%dma_start3A_507 : memref<32xi32, #tpu.memory_space<vmem>>) semaphore(%arg14 : memref<!tpu.dma_semaphore, #tpu.memory_space<semaphore_mem>>)
        %dma_start3A_511 = arith.constant 32 : i32
        %dma_start3A_512 = arith.constant 0 : i32
        %dma_start3A_513 = tpu.memref_slice %arg8[%dma_start3A_511, %dma_start3A_512] : memref<128x128xf32, #tpu.memory_space<vmem>> -> memref<32x128xf32, #tpu.memory_space<vmem>>
        %dma_start3A_514 = arith.constant 32 : i32
        %dma_start3A_515 = tpu.memref_slice %arg5[%add3A_501, %dma_start3A_514] : memref<200x128xi32, #tpu.memory_space<vmem>> -> memref<1x32xi32, #tpu.memory_space<vmem>>
        %dma_start3A_516 = tpu.memref_squeeze %dma_start3A_515 : memref<1x32xi32, #tpu.memory_space<vmem>> -> memref<32xi32, #tpu.memory_space<vmem>>
        %dma_start3A_517 = arith.constant 0 : i32
        %dma_start3A_518 = arith.constant 0 : i32
        %dma_start3A_519 = tpu.memref_slice %arg3[%dma_start3A_517, %dma_start3A_518] : memref<1000000x128xf32, #tpu.memory_space<hbm>> -> memref<1000000x128xf32, #tpu.memory_space<hbm>>
        tpu.enqueue_indirect_dma source(%dma_start3A_519 : memref<1000000x128xf32, #tpu.memory_space<hbm>>) target(%dma_start3A_513 : memref<32x128xf32, #tpu.memory_space<vmem>>) offsets(%dma_start3A_516 : memref<32xi32, #tpu.memory_space<vmem>>) semaphore(%arg14 : memref<!tpu.dma_semaphore, #tpu.memory_space<semaphore_mem>>)
        %dma_start3A_520 = arith.constant 64 : i32
        %dma_start3A_521 = arith.constant 0 : i32
        %dma_start3A_522 = tpu.memref_slice %arg8[%dma_start3A_520, %dma_start3A_521] : memref<128x128xf32, #tpu.memory_space<vmem>> -> memref<32x128xf32, #tpu.memory_space<vmem>>
        %dma_start3A_523 = arith.constant 64 : i32
        %dma_start3A_524 = tpu.memref_slice %arg5[%add3A_501, %dma_start3A_523] : memref<200x128xi32, #tpu.memory_space<vmem>> -> memref<1x32xi32, #tpu.memory_space<vmem>>
        %dma_start3A_525 = tpu.memref_squeeze %dma_start3A_524 : memref<1x32xi32, #tpu.memory_space<vmem>> -> memref<32xi32, #tpu.memory_space<vmem>>
        %dma_start3A_526 = arith.constant 0 : i32
        %dma_start3A_527 = arith.constant 0 : i32
        %dma_start3A_528 = tpu.memref_slice %arg3[%dma_start3A_526, %dma_start3A_527] : memref<1000000x128xf32, #tpu.memory_space<hbm>> -> memref<1000000x128xf32, #tpu.memory_space<hbm>>
        tpu.enqueue_indirect_dma source(%dma_start3A_528 : memref<1000000x128xf32, #tpu.memory_space<hbm>>) target(%dma_start3A_522 : memref<32x128xf32, #tpu.memory_space<vmem>>) offsets(%dma_start3A_525 : memref<32xi32, #tpu.memory_space<vmem>>) semaphore(%arg14 : memref<!tpu.dma_semaphore, #tpu.memory_space<semaphore_mem>>)
        %dma_start3A_529 = arith.constant 96 : i32
        %dma_start3A_530 = arith.constant 0 : i32
        %dma_start3A_531 = tpu.memref_slice %arg8[%dma_start3A_529, %dma_start3A_530] : memref<128x128xf32, #tpu.memory_space<vmem>> -> memref<32x128xf32, #tpu.memory_space<vmem>>
        %dma_start3A_532 = arith.constant 96 : i32
        %dma_start3A_533 = tpu.memref_slice %arg5[%add3A_501, %dma_start3A_532] : memref<200x128xi32, #tpu.memory_space<vmem>> -> memref<1x32xi32, #tpu.memory_space<vmem>>
        %dma_start3A_534 = tpu.memref_squeeze %dma_start3A_533 : memref<1x32xi32, #tpu.memory_space<vmem>> -> memref<32xi32, #tpu.memory_space<vmem>>
        %dma_start3A_535 = arith.constant 0 : i32
        %dma_start3A_536 = arith.constant 0 : i32
        %dma_start3A_537 = tpu.memref_slice %arg3[%dma_start3A_535, %dma_start3A_536] : memref<1000000x128xf32, #tpu.memory_space<hbm>> -> memref<1000000x128xf32, #tpu.memory_space<hbm>>
        tpu.enqueue_indirect_dma source(%dma_start3A_537 : memref<1000000x128xf32, #tpu.memory_space<hbm>>) target(%dma_start3A_531 : memref<32x128xf32, #tpu.memory_space<vmem>>) offsets(%dma_start3A_534 : memref<32xi32, #tpu.memory_space<vmem>>) semaphore(%arg14 : memref<!tpu.dma_semaphore, #tpu.memory_space<semaphore_mem>>)
      } else {
      }
      %add3A_418 = arith.addi %mul3A_34, %add3A_363 : i32
      %dma_start3A_419 = arith.constant 0 : i32
      %dma_start3A_420 = arith.constant 0 : i32
      %dma_start3A_421 = tpu.memref_slice %arg10[%dma_start3A_419, %dma_start3A_420] : memref<64x129xf32, #tpu.memory_space<vmem>> -> memref<64x128xf32, #tpu.memory_space<vmem>>
      %dma_start3A_422 = arith.constant 0 : i32
      %dma_start3A_423 = tpu.memref_slice %arg4[%add3A_418, %dma_start3A_422, %mul3A_11] : memref<200x64x4096xf32, #tpu.memory_space<hbm>> -> memref<1x64x128xf32, #tpu.memory_space<hbm>>
      %dma_start3A_424 = tpu.memref_squeeze %dma_start3A_423 : memref<1x64x128xf32, #tpu.memory_space<hbm>> -> memref<64x128xf32, #tpu.memory_space<hbm>>
      %dma_start3A_425 = arith.constant 0 : i32
      %dma_start3A_426 = tpu.memref_slice %arg4[%add3A_418, %dma_start3A_425, %mul3A_11] : memref<200x64x4096xf32, #tpu.memory_space<hbm>> -> memref<1x64x128xf32, #tpu.memory_space<hbm>>
      %dma_start3A_427 = tpu.memref_squeeze %dma_start3A_426 : memref<1x64x128xf32, #tpu.memory_space<hbm>> -> memref<64x128xf32, #tpu.memory_space<hbm>>
      %dma_start3A_428 = arith.constant 0 : i32
      %dma_start3A_429 = arith.constant 0 : i32
      %dma_start3A_430 = tpu.memref_slice %arg10[%dma_start3A_428, %dma_start3A_429] : memref<64x129xf32, #tpu.memory_space<vmem>> -> memref<64x128xf32, #tpu.memory_space<vmem>>
      tpu.enqueue_dma source(%dma_start3A_430 : memref<64x128xf32, #tpu.memory_space<vmem>>) target(%dma_start3A_427 : memref<64x128xf32, #tpu.memory_space<hbm>>) target_semaphore(%arg16 : memref<!tpu.dma_semaphore, #tpu.memory_space<semaphore_mem>>)
      %add3A_431 = arith.constant 3 : i32
      %add3A_432 = arith.addi %add3A_229, %add3A_431 : i32
      %dma_wait3A_433 = arith.constant 0 : i32
      %dma_wait3A_434 = arith.constant 0 : i32
      %dma_wait3A_435 = tpu.memref_slice %arg9[%dma_wait3A_433, %dma_wait3A_434] : memref<128x128xf32, #tpu.memory_space<vmem>> -> memref<32x128xf32, #tpu.memory_space<vmem>>
      %dma_wait3A_436 = arith.constant 0 : i32
      %dma_wait3A_437 = tpu.memref_slice %arg5[%add3A_432, %dma_wait3A_436] : memref<200x128xi32, #tpu.memory_space<vmem>> -> memref<1x32xi32, #tpu.memory_space<vmem>>
      %dma_wait3A_438 = tpu.memref_squeeze %dma_wait3A_437 : memref<1x32xi32, #tpu.memory_space<vmem>> -> memref<32xi32, #tpu.memory_space<vmem>>
      %dma_wait3A_439 = arith.constant 0 : i32
      %dma_wait3A_440 = arith.constant 0 : i32
      %dma_wait3A_441 = tpu.memref_slice %arg3[%dma_wait3A_439, %dma_wait3A_440] : memref<1000000x128xf32, #tpu.memory_space<hbm>> -> memref<1000000x128xf32, #tpu.memory_space<hbm>>
      tpu.wait_indirect_dma semaphore(%arg15 : memref<!tpu.dma_semaphore, #tpu.memory_space<semaphore_mem>>) src(%dma_wait3A_441 : memref<1000000x128xf32, #tpu.memory_space<hbm>>) dst(%dma_wait3A_435 : memref<32x128xf32, #tpu.memory_space<vmem>>)
      %dma_wait3A_442 = arith.constant 32 : i32
      %dma_wait3A_443 = arith.constant 0 : i32
      %dma_wait3A_444 = tpu.memref_slice %arg9[%dma_wait3A_442, %dma_wait3A_443] : memref<128x128xf32, #tpu.memory_space<vmem>> -> memref<32x128xf32, #tpu.memory_space<vmem>>
      %dma_wait3A_445 = arith.constant 32 : i32
      %dma_wait3A_446 = tpu.memref_slice %arg5[%add3A_432, %dma_wait3A_445] : memref<200x128xi32, #tpu.memory_space<vmem>> -> memref<1x32xi32, #tpu.memory_space<vmem>>
      %dma_wait3A_447 = tpu.memref_squeeze %dma_wait3A_446 : memref<1x32xi32, #tpu.memory_space<vmem>> -> memref<32xi32, #tpu.memory_space<vmem>>
      %dma_wait3A_448 = arith.constant 0 : i32
      %dma_wait3A_449 = arith.constant 0 : i32
      %dma_wait3A_450 = tpu.memref_slice %arg3[%dma_wait3A_448, %dma_wait3A_449] : memref<1000000x128xf32, #tpu.memory_space<hbm>> -> memref<1000000x128xf32, #tpu.memory_space<hbm>>
      tpu.wait_indirect_dma semaphore(%arg15 : memref<!tpu.dma_semaphore, #tpu.memory_space<semaphore_mem>>) src(%dma_wait3A_450 : memref<1000000x128xf32, #tpu.memory_space<hbm>>) dst(%dma_wait3A_444 : memref<32x128xf32, #tpu.memory_space<vmem>>)
      %dma_wait3A_451 = arith.constant 64 : i32
      %dma_wait3A_452 = arith.constant 0 : i32
      %dma_wait3A_453 = tpu.memref_slice %arg9[%dma_wait3A_451, %dma_wait3A_452] : memref<128x128xf32, #tpu.memory_space<vmem>> -> memref<32x128xf32, #tpu.memory_space<vmem>>
      %dma_wait3A_454 = arith.constant 64 : i32
      %dma_wait3A_455 = tpu.memref_slice %arg5[%add3A_432, %dma_wait3A_454] : memref<200x128xi32, #tpu.memory_space<vmem>> -> memref<1x32xi32, #tpu.memory_space<vmem>>
      %dma_wait3A_456 = tpu.memref_squeeze %dma_wait3A_455 : memref<1x32xi32, #tpu.memory_space<vmem>> -> memref<32xi32, #tpu.memory_space<vmem>>
      %dma_wait3A_457 = arith.constant 0 : i32
      %dma_wait3A_458 = arith.constant 0 : i32
      %dma_wait3A_459 = tpu.memref_slice %arg3[%dma_wait3A_457, %dma_wait3A_458] : memref<1000000x128xf32, #tpu.memory_space<hbm>> -> memref<1000000x128xf32, #tpu.memory_space<hbm>>
      tpu.wait_indirect_dma semaphore(%arg15 : memref<!tpu.dma_semaphore, #tpu.memory_space<semaphore_mem>>) src(%dma_wait3A_459 : memref<1000000x128xf32, #tpu.memory_space<hbm>>) dst(%dma_wait3A_453 : memref<32x128xf32, #tpu.memory_space<vmem>>)
      %dma_wait3A_460 = arith.constant 96 : i32
      %dma_wait3A_461 = arith.constant 0 : i32
      %dma_wait3A_462 = tpu.memref_slice %arg9[%dma_wait3A_460, %dma_wait3A_461] : memref<128x128xf32, #tpu.memory_space<vmem>> -> memref<32x128xf32, #tpu.memory_space<vmem>>
      %dma_wait3A_463 = arith.constant 96 : i32
      %dma_wait3A_464 = tpu.memref_slice %arg5[%add3A_432, %dma_wait3A_463] : memref<200x128xi32, #tpu.memory_space<vmem>> -> memref<1x32xi32, #tpu.memory_space<vmem>>
      %dma_wait3A_465 = tpu.memref_squeeze %dma_wait3A_464 : memref<1x32xi32, #tpu.memory_space<vmem>> -> memref<32xi32, #tpu.memory_space<vmem>>
      %dma_wait3A_466 = arith.constant 0 : i32
      %dma_wait3A_467 = arith.constant 0 : i32
      %dma_wait3A_468 = tpu.memref_slice %arg3[%dma_wait3A_466, %dma_wait3A_467] : memref<1000000x128xf32, #tpu.memory_space<hbm>> -> memref<1000000x128xf32, #tpu.memory_space<hbm>>
      tpu.wait_indirect_dma semaphore(%arg15 : memref<!tpu.dma_semaphore, #tpu.memory_space<semaphore_mem>>) src(%dma_wait3A_468 : memref<1000000x128xf32, #tpu.memory_space<hbm>>) dst(%dma_wait3A_462 : memref<32x128xf32, #tpu.memory_space<vmem>>)
      %ge3A_469 = arith.constant 2 : i32
      %ge3A_470 = arith.cmpi sge, %add3A_432, %ge3A_469 : i32
      %convert_element_type3A_471 = arith.extui %ge3A_470 : i1 to i32
      %cond3A_472 = arith.constant 0 : i32
      %cond3A_473 = arith.cmpi ne, %convert_element_type3A_471, %cond3A_472 : i32
      scf.if %cond3A_473 {
        %add3A_500 = arith.addi %mul3A_34, %add3A_432 : i32
        %sub3A_501 = arith.constant 2 : i32
        %sub3A_502 = arith.subi %add3A_500, %sub3A_501 : i32
        %dma_wait3A_503 = arith.constant 0 : i32
        %dma_wait3A_504 = arith.constant 0 : i32
        %dma_wait3A_505 = tpu.memref_slice %arg11[%dma_wait3A_503, %dma_wait3A_504] : memref<64x129xf32, #tpu.memory_space<vmem>> -> memref<64x128xf32, #tpu.memory_space<vmem>>
        %dma_wait3A_506 = arith.constant 0 : i32
        %dma_wait3A_507 = tpu.memref_slice %arg4[%sub3A_502, %dma_wait3A_506, %mul3A_11] : memref<200x64x4096xf32, #tpu.memory_space<hbm>> -> memref<1x64x128xf32, #tpu.memory_space<hbm>>
        %dma_wait3A_508 = tpu.memref_squeeze %dma_wait3A_507 : memref<1x64x128xf32, #tpu.memory_space<hbm>> -> memref<64x128xf32, #tpu.memory_space<hbm>>
        %dma_wait3A_509 = arith.constant 0 : i32
        %dma_wait3A_510 = tpu.memref_slice %arg4[%sub3A_502, %dma_wait3A_509, %mul3A_11] : memref<200x64x4096xf32, #tpu.memory_space<hbm>> -> memref<1x64x128xf32, #tpu.memory_space<hbm>>
        %dma_wait3A_511 = tpu.memref_squeeze %dma_wait3A_510 : memref<1x64x128xf32, #tpu.memory_space<hbm>> -> memref<64x128xf32, #tpu.memory_space<hbm>>
        %dma_wait3A_512 = arith.constant 0 : i32
        %dma_wait3A_513 = arith.constant 0 : i32
        %dma_wait3A_514 = tpu.memref_slice %arg11[%dma_wait3A_512, %dma_wait3A_513] : memref<64x129xf32, #tpu.memory_space<vmem>> -> memref<64x128xf32, #tpu.memory_space<vmem>>
        tpu.wait_dma2 semaphore(%arg17 : memref<!tpu.dma_semaphore, #tpu.memory_space<semaphore_mem>>) src(%dma_wait3A_514 : memref<64x128xf32, #tpu.memory_space<vmem>>) dst(%dma_wait3A_511 : memref<64x128xf32, #tpu.memory_space<hbm>>)
      } else {
      }
      %broadcast_in_dim3A_474 = arith.constant 0 : i32
      %broadcast_in_dim3A_475 = vector.broadcast %broadcast_in_dim3A_474 : i32 to vector<16xi32>
      %iota3A_476 = tpu.iota {dimensions = array<i32: 0>} : vector<16xi32>
      %parallel_loop3A_477 = arith.constant 0 : i32
      %parallel_loop3A_478 = arith.constant 128 : i32
      %parallel_loop3A_479 = arith.constant 2 : i32
      scf.for %parallel_loop3A_500 = %parallel_loop3A_477 to %parallel_loop3A_478 step %parallel_loop3A_479  : i32 {
        %parallel_loop3A_501 = arith.constant 0 : i32
        %parallel_loop3A_502 = arith.addi %parallel_loop3A_500, %parallel_loop3A_501 : i32
        %parallel_loop3A_503 = arith.index_cast %parallel_loop3A_502 : i32 to index
        %parallel_loop3A_504 = arith.constant 0 : index
        %parallel_loop3A_505 = tpu.vector_load %arg9[%parallel_loop3A_503, %parallel_loop3A_504] {strides = array<i32>} : memref<128x128xf32, #tpu.memory_space<vmem>>, vector<16xf32>,
        %parallel_loop3A_506 = arith.constant 0 : i32
        %parallel_loop3A_507 = arith.addi %parallel_loop3A_500, %parallel_loop3A_506 : i32
        %parallel_loop3A_508 = arith.index_cast %parallel_loop3A_507 : i32 to index
        %parallel_loop3A_509 = arith.constant 16 : index
        %parallel_loop3A_510 = tpu.vector_load %arg9[%parallel_loop3A_508, %parallel_loop3A_509] {strides = array<i32>} : memref<128x128xf32, #tpu.memory_space<vmem>>, vector<16xf32>,
        %parallel_loop3A_511 = arith.constant 0 : i32
        %parallel_loop3A_512 = arith.addi %parallel_loop3A_500, %parallel_loop3A_511 : i32
        %parallel_loop3A_513 = arith.index_cast %parallel_loop3A_512 : i32 to index
        %parallel_loop3A_514 = arith.constant 32 : index
        %parallel_loop3A_515 = tpu.vector_load %arg9[%parallel_loop3A_513, %parallel_loop3A_514] {strides = array<i32>} : memref<128x128xf32, #tpu.memory_space<vmem>>, vector<16xf32>,
        %parallel_loop3A_516 = arith.constant 0 : i32
        %parallel_loop3A_517 = arith.addi %parallel_loop3A_500, %parallel_loop3A_516 : i32
        %parallel_loop3A_518 = arith.index_cast %parallel_loop3A_517 : i32 to index
        %parallel_loop3A_519 = arith.constant 48 : index
        %parallel_loop3A_520 = tpu.vector_load %arg9[%parallel_loop3A_518, %parallel_loop3A_519] {strides = array<i32>} : memref<128x128xf32, #tpu.memory_space<vmem>>, vector<16xf32>,
        %parallel_loop3A_521 = arith.constant 1 : i32
        %parallel_loop3A_522 = arith.addi %parallel_loop3A_500, %parallel_loop3A_521 : i32
        %parallel_loop3A_523 = arith.index_cast %parallel_loop3A_522 : i32 to index
        %parallel_loop3A_524 = arith.constant 0 : index
        %parallel_loop3A_525 = tpu.vector_load %arg9[%parallel_loop3A_523, %parallel_loop3A_524] {strides = array<i32>} : memref<128x128xf32, #tpu.memory_space<vmem>>, vector<16xf32>,
        %parallel_loop3A_526 = arith.constant 1 : i32
        %parallel_loop3A_527 = arith.addi %parallel_loop3A_500, %parallel_loop3A_526 : i32
        %parallel_loop3A_528 = arith.index_cast %parallel_loop3A_527 : i32 to index
        %parallel_loop3A_529 = arith.constant 16 : index
        %parallel_loop3A_530 = tpu.vector_load %arg9[%parallel_loop3A_528, %parallel_loop3A_529] {strides = array<i32>} : memref<128x128xf32, #tpu.memory_space<vmem>>, vector<16xf32>,
        %parallel_loop3A_531 = arith.constant 1 : i32
        %parallel_loop3A_532 = arith.addi %parallel_loop3A_500, %parallel_loop3A_531 : i32
        %parallel_loop3A_533 = arith.index_cast %parallel_loop3A_532 : i32 to index
        %parallel_loop3A_534 = arith.constant 32 : index
        %parallel_loop3A_535 = tpu.vector_load %arg9[%parallel_loop3A_533, %parallel_loop3A_534] {strides = array<i32>} : memref<128x128xf32, #tpu.memory_space<vmem>>, vector<16xf32>,
        %parallel_loop3A_536 = arith.constant 1 : i32
        %parallel_loop3A_537 = arith.addi %parallel_loop3A_500, %parallel_loop3A_536 : i32
        %parallel_loop3A_538 = arith.index_cast %parallel_loop3A_537 : i32 to index
        %parallel_loop3A_539 = arith.constant 48 : index
        %parallel_loop3A_540 = tpu.vector_load %arg9[%parallel_loop3A_538, %parallel_loop3A_539] {strides = array<i32>} : memref<128x128xf32, #tpu.memory_space<vmem>>, vector<16xf32>,
        %parallel_loop3A_541 = arith.constant 0 : i32
        %parallel_loop3A_542 = arith.addi %parallel_loop3A_500, %parallel_loop3A_541 : i32
        %parallel_loop3A_543 = vector.broadcast %parallel_loop3A_542 : i32 to vector<16xi32>
        %parallel_loop3A_544 = arith.addi %broadcast_in_dim3A_475, %parallel_loop3A_543 : vector<16xi32>
        %parallel_loop3A_545 = arith.constant 0 : i32
        %parallel_loop3A_546 = vector.broadcast %parallel_loop3A_545 : i32 to vector<16xi32>
        %parallel_loop3A_547 = arith.addi %iota3A_476, %parallel_loop3A_546 : vector<16xi32>
        tpu.vector_store_idx %arg11[%parallel_loop3A_547, %parallel_loop3A_544], %parallel_loop3A_505 : memref<64x129xf32, #tpu.memory_space<vmem>>[vector<16xi32>, vector<16xi32>], vector<16xf32>,
        %parallel_loop3A_548 = arith.constant 16 : i32
        %parallel_loop3A_549 = vector.broadcast %parallel_loop3A_548 : i32 to vector<16xi32>
        %parallel_loop3A_550 = arith.addi %iota3A_476, %parallel_loop3A_549 : vector<16xi32>
        tpu.vector_store_idx %arg11[%parallel_loop3A_550, %parallel_loop3A_544], %parallel_loop3A_510 : memref<64x129xf32, #tpu.memory_space<vmem>>[vector<16xi32>, vector<16xi32>], vector<16xf32>,
        %parallel_loop3A_551 = arith.constant 32 : i32
        %parallel_loop3A_552 = vector.broadcast %parallel_loop3A_551 : i32 to vector<16xi32>
        %parallel_loop3A_553 = arith.addi %iota3A_476, %parallel_loop3A_552 : vector<16xi32>
        tpu.vector_store_idx %arg11[%parallel_loop3A_553, %parallel_loop3A_544], %parallel_loop3A_515 : memref<64x129xf32, #tpu.memory_space<vmem>>[vector<16xi32>, vector<16xi32>], vector<16xf32>,
        %parallel_loop3A_554 = arith.constant 48 : i32
        %parallel_loop3A_555 = vector.broadcast %parallel_loop3A_554 : i32 to vector<16xi32>
        %parallel_loop3A_556 = arith.addi %iota3A_476, %parallel_loop3A_555 : vector<16xi32>
        tpu.vector_store_idx %arg11[%parallel_loop3A_556, %parallel_loop3A_544], %parallel_loop3A_520 : memref<64x129xf32, #tpu.memory_space<vmem>>[vector<16xi32>, vector<16xi32>], vector<16xf32>,
        %parallel_loop3A_557 = arith.constant 1 : i32
        %parallel_loop3A_558 = arith.addi %parallel_loop3A_500, %parallel_loop3A_557 : i32
        %parallel_loop3A_559 = vector.broadcast %parallel_loop3A_558 : i32 to vector<16xi32>
        %parallel_loop3A_560 = arith.addi %broadcast_in_dim3A_475, %parallel_loop3A_559 : vector<16xi32>
        %parallel_loop3A_561 = arith.constant 0 : i32
        %parallel_loop3A_562 = vector.broadcast %parallel_loop3A_561 : i32 to vector<16xi32>
        %parallel_loop3A_563 = arith.addi %iota3A_476, %parallel_loop3A_562 : vector<16xi32>
        tpu.vector_store_idx %arg11[%parallel_loop3A_563, %parallel_loop3A_560], %parallel_loop3A_525 : memref<64x129xf32, #tpu.memory_space<vmem>>[vector<16xi32>, vector<16xi32>], vector<16xf32>,
        %parallel_loop3A_564 = arith.constant 16 : i32
        %parallel_loop3A_565 = vector.broadcast %parallel_loop3A_564 : i32 to vector<16xi32>
        %parallel_loop3A_566 = arith.addi %iota3A_476, %parallel_loop3A_565 : vector<16xi32>
        tpu.vector_store_idx %arg11[%parallel_loop3A_566, %parallel_loop3A_560], %parallel_loop3A_530 : memref<64x129xf32, #tpu.memory_space<vmem>>[vector<16xi32>, vector<16xi32>], vector<16xf32>,
        %parallel_loop3A_567 = arith.constant 32 : i32
        %parallel_loop3A_568 = vector.broadcast %parallel_loop3A_567 : i32 to vector<16xi32>
        %parallel_loop3A_569 = arith.addi %iota3A_476, %parallel_loop3A_568 : vector<16xi32>
        tpu.vector_store_idx %arg11[%parallel_loop3A_569, %parallel_loop3A_560], %parallel_loop3A_535 : memref<64x129xf32, #tpu.memory_space<vmem>>[vector<16xi32>, vector<16xi32>], vector<16xf32>,
        %parallel_loop3A_570 = arith.constant 48 : i32
        %parallel_loop3A_571 = vector.broadcast %parallel_loop3A_570 : i32 to vector<16xi32>
        %parallel_loop3A_572 = arith.addi %iota3A_476, %parallel_loop3A_571 : vector<16xi32>
        tpu.vector_store_idx %arg11[%parallel_loop3A_572, %parallel_loop3A_560], %parallel_loop3A_540 : memref<64x129xf32, #tpu.memory_space<vmem>>[vector<16xi32>, vector<16xi32>], vector<16xf32>,
      } {sc.loop_unroll_factor = 2 : i64, sc.parallel_access}
      %add3A_480 = arith.constant 4 : i32
      %add3A_481 = arith.addi %add3A_432, %add3A_480 : i32
      %lt3A_482 = arith.constant 200 : i32
      %lt3A_483 = arith.cmpi slt, %add3A_481, %lt3A_482 : i32
      %convert_element_type3A_484 = arith.extui %lt3A_483 : i1 to i32
      %cond3A_485 = arith.constant 0 : i32
      %cond3A_486 = arith.cmpi ne, %convert_element_type3A_484, %cond3A_485 : i32
      scf.if %cond3A_486 {
        %add3A_500 = arith.constant 4 : i32
        %add3A_501 = arith.addi %add3A_432, %add3A_500 : i32
        %dma_start3A_502 = arith.constant 0 : i32
        %dma_start3A_503 = arith.constant 0 : i32
        %dma_start3A_504 = tpu.memref_slice %arg9[%dma_start3A_502, %dma_start3A_503] : memref<128x128xf32, #tpu.memory_space<vmem>> -> memref<32x128xf32, #tpu.memory_space<vmem>>
        %dma_start3A_505 = arith.constant 0 : i32
        %dma_start3A_506 = tpu.memref_slice %arg5[%add3A_501, %dma_start3A_505] : memref<200x128xi32, #tpu.memory_space<vmem>> -> memref<1x32xi32, #tpu.memory_space<vmem>>
        %dma_start3A_507 = tpu.memref_squeeze %dma_start3A_506 : memref<1x32xi32, #tpu.memory_space<vmem>> -> memref<32xi32, #tpu.memory_space<vmem>>
        %dma_start3A_508 = arith.constant 0 : i32
        %dma_start3A_509 = arith.constant 0 : i32
        %dma_start3A_510 = tpu.memref_slice %arg3[%dma_start3A_508, %dma_start3A_509] : memref<1000000x128xf32, #tpu.memory_space<hbm>> -> memref<1000000x128xf32, #tpu.memory_space<hbm>>
        tpu.enqueue_indirect_dma source(%dma_start3A_510 : memref<1000000x128xf32, #tpu.memory_space<hbm>>) target(%dma_start3A_504 : memref<32x128xf32, #tpu.memory_space<vmem>>) offsets(%dma_start3A_507 : memref<32xi32, #tpu.memory_space<vmem>>) semaphore(%arg15 : memref<!tpu.dma_semaphore, #tpu.memory_space<semaphore_mem>>)
        %dma_start3A_511 = arith.constant 32 : i32
        %dma_start3A_512 = arith.constant 0 : i32
        %dma_start3A_513 = tpu.memref_slice %arg9[%dma_start3A_511, %dma_start3A_512] : memref<128x128xf32, #tpu.memory_space<vmem>> -> memref<32x128xf32, #tpu.memory_space<vmem>>
        %dma_start3A_514 = arith.constant 32 : i32
        %dma_start3A_515 = tpu.memref_slice %arg5[%add3A_501, %dma_start3A_514] : memref<200x128xi32, #tpu.memory_space<vmem>> -> memref<1x32xi32, #tpu.memory_space<vmem>>
        %dma_start3A_516 = tpu.memref_squeeze %dma_start3A_515 : memref<1x32xi32, #tpu.memory_space<vmem>> -> memref<32xi32, #tpu.memory_space<vmem>>
        %dma_start3A_517 = arith.constant 0 : i32
        %dma_start3A_518 = arith.constant 0 : i32
        %dma_start3A_519 = tpu.memref_slice %arg3[%dma_start3A_517, %dma_start3A_518] : memref<1000000x128xf32, #tpu.memory_space<hbm>> -> memref<1000000x128xf32, #tpu.memory_space<hbm>>
        tpu.enqueue_indirect_dma source(%dma_start3A_519 : memref<1000000x128xf32, #tpu.memory_space<hbm>>) target(%dma_start3A_513 : memref<32x128xf32, #tpu.memory_space<vmem>>) offsets(%dma_start3A_516 : memref<32xi32, #tpu.memory_space<vmem>>) semaphore(%arg15 : memref<!tpu.dma_semaphore, #tpu.memory_space<semaphore_mem>>)
        %dma_start3A_520 = arith.constant 64 : i32
        %dma_start3A_521 = arith.constant 0 : i32
        %dma_start3A_522 = tpu.memref_slice %arg9[%dma_start3A_520, %dma_start3A_521] : memref<128x128xf32, #tpu.memory_space<vmem>> -> memref<32x128xf32, #tpu.memory_space<vmem>>
        %dma_start3A_523 = arith.constant 64 : i32
        %dma_start3A_524 = tpu.memref_slice %arg5[%add3A_501, %dma_start3A_523] : memref<200x128xi32, #tpu.memory_space<vmem>> -> memref<1x32xi32, #tpu.memory_space<vmem>>
        %dma_start3A_525 = tpu.memref_squeeze %dma_start3A_524 : memref<1x32xi32, #tpu.memory_space<vmem>> -> memref<32xi32, #tpu.memory_space<vmem>>
        %dma_start3A_526 = arith.constant 0 : i32
        %dma_start3A_527 = arith.constant 0 : i32
        %dma_start3A_528 = tpu.memref_slice %arg3[%dma_start3A_526, %dma_start3A_527] : memref<1000000x128xf32, #tpu.memory_space<hbm>> -> memref<1000000x128xf32, #tpu.memory_space<hbm>>
        tpu.enqueue_indirect_dma source(%dma_start3A_528 : memref<1000000x128xf32, #tpu.memory_space<hbm>>) target(%dma_start3A_522 : memref<32x128xf32, #tpu.memory_space<vmem>>) offsets(%dma_start3A_525 : memref<32xi32, #tpu.memory_space<vmem>>) semaphore(%arg15 : memref<!tpu.dma_semaphore, #tpu.memory_space<semaphore_mem>>)
        %dma_start3A_529 = arith.constant 96 : i32
        %dma_start3A_530 = arith.constant 0 : i32
        %dma_start3A_531 = tpu.memref_slice %arg9[%dma_start3A_529, %dma_start3A_530] : memref<128x128xf32, #tpu.memory_space<vmem>> -> memref<32x128xf32, #tpu.memory_space<vmem>>
        %dma_start3A_532 = arith.constant 96 : i32
        %dma_start3A_533 = tpu.memref_slice %arg5[%add3A_501, %dma_start3A_532] : memref<200x128xi32, #tpu.memory_space<vmem>> -> memref<1x32xi32, #tpu.memory_space<vmem>>
        %dma_start3A_534 = tpu.memref_squeeze %dma_start3A_533 : memref<1x32xi32, #tpu.memory_space<vmem>> -> memref<32xi32, #tpu.memory_space<vmem>>
        %dma_start3A_535 = arith.constant 0 : i32
        %dma_start3A_536 = arith.constant 0 : i32
        %dma_start3A_537 = tpu.memref_slice %arg3[%dma_start3A_535, %dma_start3A_536] : memref<1000000x128xf32, #tpu.memory_space<hbm>> -> memref<1000000x128xf32, #tpu.memory_space<hbm>>
        tpu.enqueue_indirect_dma source(%dma_start3A_537 : memref<1000000x128xf32, #tpu.memory_space<hbm>>) target(%dma_start3A_531 : memref<32x128xf32, #tpu.memory_space<vmem>>) offsets(%dma_start3A_534 : memref<32xi32, #tpu.memory_space<vmem>>) semaphore(%arg15 : memref<!tpu.dma_semaphore, #tpu.memory_space<semaphore_mem>>)
      } else {
      }
      %add3A_487 = arith.addi %mul3A_34, %add3A_432 : i32
      %dma_start3A_488 = arith.constant 0 : i32
      %dma_start3A_489 = arith.constant 0 : i32
      %dma_start3A_490 = tpu.memref_slice %arg11[%dma_start3A_488, %dma_start3A_489] : memref<64x129xf32, #tpu.memory_space<vmem>> -> memref<64x128xf32, #tpu.memory_space<vmem>>
      %dma_start3A_491 = arith.constant 0 : i32
      %dma_start3A_492 = tpu.memref_slice %arg4[%add3A_487, %dma_start3A_491, %mul3A_11] : memref<200x64x4096xf32, #tpu.memory_space<hbm>> -> memref<1x64x128xf32, #tpu.memory_space<hbm>>
      %dma_start3A_493 = tpu.memref_squeeze %dma_start3A_492 : memref<1x64x128xf32, #tpu.memory_space<hbm>> -> memref<64x128xf32, #tpu.memory_space<hbm>>
      %dma_start3A_494 = arith.constant 0 : i32
      %dma_start3A_495 = tpu.memref_slice %arg4[%add3A_487, %dma_start3A_494, %mul3A_11] : memref<200x64x4096xf32, #tpu.memory_space<hbm>> -> memref<1x64x128xf32, #tpu.memory_space<hbm>>
      %dma_start3A_496 = tpu.memref_squeeze %dma_start3A_495 : memref<1x64x128xf32, #tpu.memory_space<hbm>> -> memref<64x128xf32, #tpu.memory_space<hbm>>
      %dma_start3A_497 = arith.constant 0 : i32
      %dma_start3A_498 = arith.constant 0 : i32
      %dma_start3A_499 = tpu.memref_slice %arg11[%dma_start3A_497, %dma_start3A_498] : memref<64x129xf32, #tpu.memory_space<vmem>> -> memref<64x128xf32, #tpu.memory_space<vmem>>
      tpu.enqueue_dma source(%dma_start3A_499 : memref<64x128xf32, #tpu.memory_space<vmem>>) target(%dma_start3A_496 : memref<64x128xf32, #tpu.memory_space<hbm>>) target_semaphore(%arg17 : memref<!tpu.dma_semaphore, #tpu.memory_space<semaphore_mem>>)
    }
    %scan3A_197 = arith.constant 50 : i32
    %add3A_198 = arith.constant 198 : i32
    %add3A_199 = arith.addi %mul3A_34, %add3A_198 : i32
    %dma_wait3A = arith.constant 0 : i32
    %dma_wait3A_200 = arith.constant 0 : i32
    %dma_wait3A_201 = tpu.memref_slice %arg10[%dma_wait3A, %dma_wait3A_200] : memref<64x129xf32, #tpu.memory_space<vmem>> -> memref<64x128xf32, #tpu.memory_space<vmem>>
    %dma_wait3A_202 = arith.constant 0 : i32
    %dma_wait3A_203 = tpu.memref_slice %arg4[%add3A_199, %dma_wait3A_202, %mul3A_11] : memref<200x64x4096xf32, #tpu.memory_space<hbm>> -> memref<1x64x128xf32, #tpu.memory_space<hbm>>
    %dma_wait3A_204 = tpu.memref_squeeze %dma_wait3A_203 : memref<1x64x128xf32, #tpu.memory_space<hbm>> -> memref<64x128xf32, #tpu.memory_space<hbm>>
    %dma_wait3A_205 = arith.constant 0 : i32
    %dma_wait3A_206 = tpu.memref_slice %arg4[%add3A_199, %dma_wait3A_205, %mul3A_11] : memref<200x64x4096xf32, #tpu.memory_space<hbm>> -> memref<1x64x128xf32, #tpu.memory_space<hbm>>
    %dma_wait3A_207 = tpu.memref_squeeze %dma_wait3A_206 : memref<1x64x128xf32, #tpu.memory_space<hbm>> -> memref<64x128xf32, #tpu.memory_space<hbm>>
    %dma_wait3A_208 = arith.constant 0 : i32
    %dma_wait3A_209 = arith.constant 0 : i32
    %dma_wait3A_210 = tpu.memref_slice %arg10[%dma_wait3A_208, %dma_wait3A_209] : memref<64x129xf32, #tpu.memory_space<vmem>> -> memref<64x128xf32, #tpu.memory_space<vmem>>
    tpu.wait_dma2 semaphore(%arg16 : memref<!tpu.dma_semaphore, #tpu.memory_space<semaphore_mem>>) src(%dma_wait3A_210 : memref<64x128xf32, #tpu.memory_space<vmem>>) dst(%dma_wait3A_207 : memref<64x128xf32, #tpu.memory_space<hbm>>)
    %add3A_211 = arith.constant 199 : i32
    %add3A_212 = arith.addi %mul3A_34, %add3A_211 : i32
    %dma_wait3A_213 = arith.constant 0 : i32
    %dma_wait3A_214 = arith.constant 0 : i32
    %dma_wait3A_215 = tpu.memref_slice %arg11[%dma_wait3A_213, %dma_wait3A_214] : memref<64x129xf32, #tpu.memory_space<vmem>> -> memref<64x128xf32, #tpu.memory_space<vmem>>
    %dma_wait3A_216 = arith.constant 0 : i32
    %dma_wait3A_217 = tpu.memref_slice %arg4[%add3A_212, %dma_wait3A_216, %mul3A_11] : memref<200x64x4096xf32, #tpu.memory_space<hbm>> -> memref<1x64x128xf32, #tpu.memory_space<hbm>>
    %dma_wait3A_218 = tpu.memref_squeeze %dma_wait3A_217 : memref<1x64x128xf32, #tpu.memory_space<hbm>> -> memref<64x128xf32, #tpu.memory_space<hbm>>
    %dma_wait3A_219 = arith.constant 0 : i32
    %dma_wait3A_220 = tpu.memref_slice %arg4[%add3A_212, %dma_wait3A_219, %mul3A_11] : memref<200x64x4096xf32, #tpu.memory_space<hbm>> -> memref<1x64x128xf32, #tpu.memory_space<hbm>>
    %dma_wait3A_221 = tpu.memref_squeeze %dma_wait3A_220 : memref<1x64x128xf32, #tpu.memory_space<hbm>> -> memref<64x128xf32, #tpu.memory_space<hbm>>
    %dma_wait3A_222 = arith.constant 0 : i32
    %dma_wait3A_223 = arith.constant 0 : i32
    %dma_wait3A_224 = tpu.memref_slice %arg11[%dma_wait3A_222, %dma_wait3A_223] : memref<64x129xf32, #tpu.memory_space<vmem>> -> memref<64x128xf32, #tpu.memory_space<vmem>>
    tpu.wait_dma2 semaphore(%arg17 : memref<!tpu.dma_semaphore, #tpu.memory_space<semaphore_mem>>) src(%dma_wait3A_224 : memref<64x128xf32, #tpu.memory_space<vmem>>) dst(%dma_wait3A_221 : memref<64x128xf32, #tpu.memory_space<hbm>>)
    return
  }
}

</mosaic_0001>

<sc_bundles>
// kernel: _emb_lookup.3.cloned.1.call-start
scs
__scs_entry_jumppad:
0x0: {  	(pc) =	sbr.rel $0x88, $3  }
0x1: {  	(tag) =	ssettag $0x0;
	lr =	simm.s32 $0x1  }
0x2: {  	[smem:$0x3F9F] =	sst lr;
	_ =	strace $0xD0000000  }
0x3: {  	_ = 	snop  }
0x4: {  	_ = 	snop  }
0x5: {  	_ = 	snop  }
0x6: {  	_ = 	snop  }
0x7: {  	_ = 	snop  }
__scs_overlays_trampoline_lowered:
0x8: {  	[smem:$0x3FAE] =	sst s0  }
0x9: {  	[smem:$0x3FAF] =	sst s1  }
0xa: {  	[smem:$0x3FB0] =	sst s2  }
0xb: {  	[smem:$0x3FB1] =	sst s3  }
0xc: {  	[smem:$0x3FB2] =	sst s4  }
0xd: {  	[smem:$0x3FB3] =	sst s5  }
0xe: {  	[smem:$0x3FB4] =	sst s6  }
0xf: {  	[smem:$0x3FB5] =	sst s7  }
0x10: {  	[smem:$0x3FB6] =	sst s8  }
0x11: {  	[smem:$0x3FB7] =	sst s9;
	s0 =	simm.s32 @!p0 $0x0  }
0x12: {  	s1 =	sld [smem:$0x3F9D];
	s0 =	simm.s32 @p0 $0x1  }
0x13: {  	[smem:$0x3FB8] =	sst s0;
	s0 =	simm.s32 @!p1 $0x0  }
0x14: {  	s2 =	sld [smem:$0x3F9C];
	s0 =	simm.s32 @p1 $0x1  }
0x15: {  	[smem:$0x3FB9] =	sst s0;
	s0 =	simm.s32 @!p2 $0x0  }
0x16: {  	s3 =	sld [smem:$0x3FDB];
	s0 =	simm.s32 @p2 $0x1  }
0x17: {  	s4 =	simm.s32 $0x1BF5;
	[smem:$0x3FBB] =	sst s0  }
0x18: {  	s0 =	sld [smem:$0x3F9E];
	_ =	swait.ge [sflag:s4], $0x0  }
0x19: {  	s7 =	sld [smem:$0x3F9F]  }
0x1a: {  	s8 =	sadd.s32 $0xFFFFE003, lr  }
0x1b: {  	s9 =	sadd.s32 $0xFFFFFEF7, lr;
	s5 =	simm.s32 $0xFFFFFFFF;
	p2 =	slt.u32 s8, $0xFFFFF086  }
0x1c: {  	p1 =	slt.u32 s9, $0xF7A;
	s5 =	simm.s32 @!p2 $0x0  }
0x1d: {  	s5 =	simm.s32 @p1 $0x1;
	p0 =	seq.s32 s7, s2  }
0x1e: {  	s7 =	smul.u32 @!p0 $0xF7A, s2;
	p2 =	seq.s32 @!p0 s5, $0x0  }
0x1f: {  	s9 =	smul.u32 $0xF7A, s1;
	s8 =	simm.s32 @!p0 $0x1BF5;
	p2 =	por !p2, p0  }
0x20: {  	[sflag:s8] =	ssyncset.s32 @!p0 $0xFFFFF086;
	s6 =	sadd.s32 @!p0 s3, s7;
	s7 =	simm.s32 @!p0 $0x108  }
0x21: {  	s3 =	sadd.s32 s3, s9;
	s6 =	sadd.s32 @!p0 $0x88, s6;
	s7 =	simm.s32 @p2 $0x1082  }
0x22: {  	[simem:s7], [sflag:s8] =	dma.local @!p0 [hbm:s6], $0xF7A  }
0x23: {  	s9 =	sor.u32 $0xD0000000, s2;
	s6 =	simm.s32 $0x108;
	_ =	swait.ge @!p0 [sflag:s8], $0x0  }
0x24: {  	s3 =	sadd.s32 $0x88, s3;
	s6 =	simm.s32 @!p1 $0x1082;
	[sflag:s4] =	ssyncset.s32 $0xFFFFF086  }
0x25: {  	[simem:s6], [sflag:s4] =	dma.local [hbm:s3], $0xF7A  }
0x26: {  	[smem:$0x3F9F] =	sst s1;
	(tag) =	ssettag s2;
	_ =	strace s9  }
0x27: {  	s1 =	sld [smem:$0x3FAF]  }
0x28: {  	s2 =	sld [smem:$0x3FB0]  }
0x29: {  	s4 =	sld [smem:$0x3FB2]  }
0x2a: {  	p0 =	seq.s32 s5, $0x0;
	s5 =	sld [smem:$0x3FB3]  }
0x2b: {  	s6 =	sld [smem:$0x3FB4]  }
0x2c: {  	s7 =	sld [smem:$0x3FB5]  }
0x2d: {  	s3 =	simm.s32 $0x108;
	s8 =	sld [smem:$0x3FB6]  }
0x2e: {  	s3 =	simm.s32 @!p0 $0x1082;
	s9 =	sld [smem:$0x3FB7]  }
0x2f: {  	lr =	sadd.s32 s0, s3;
	s0 =	sld [smem:$0x3FAE]  }
0x30: {  	s3 =	sld [smem:$0x3FB1]  }
0x31: {  	[smem:$0x3FBA] =	sst s10  }
0x32: {  	s10 =	sld [smem:$0x3FB8];
	_ =	sdelay $0x3  }
0x33: {  	p0 =	seq.s32 s10, $0x1;
	s10 =	sld [smem:$0x3FBA];
	_ =	sdelay $0x3  }
0x34: {  	[smem:$0x3FBA] =	sst s10  }
0x35: {  	s10 =	sld [smem:$0x3FB9];
	_ =	sdelay $0x3  }
0x36: {  	p1 =	seq.s32 s10, $0x1;
	s10 =	sld [smem:$0x3FBA];
	_ =	sdelay $0x3  }
0x37: {  	[smem:$0x3FBA] =	sst s10  }
0x38: {  	s10 =	sld [smem:$0x3FBB]  }
0x39: {  	_ = 	snop;
	(pc) =	sbr.ind lr, $3  }
0x3a: {  	_ = 	snop  }
0x3b: {  	_ = 	snop  }
0x3c: {  	p2 =	seq.s32 s10, $0x1;
	s10 =	sld [smem:$0x3FBA]  }
0x3d: {  	_ =	shalt  }
0x3e: {  	_ =	shalt  }
0x3f: {  	_ =	shalt  }
0x40: {  	_ =	shalt  }
0x41: {  	_ =	shalt  }
0x42: {  	_ =	shalt  }
0x43: {  	_ =	shalt  }
0x44: {  	_ =	shalt  }
0x45: {  	_ =	shalt  }
0x46: {  	_ =	shalt  }
0x47: {  	_ =	shalt  }
0x48: {  	_ =	shalt  }
0x49: {  	_ =	shalt  }
0x4a: {  	_ =	shalt  }
0x4b: {  	_ =	shalt  }
0x4c: {  	_ =	shalt  }
0x4d: {  	_ =	shalt  }
0x4e: {  	_ =	shalt  }
0x4f: {  	_ =	shalt  }
0x50: {  	_ =	shalt  }
0x51: {  	_ =	shalt  }
0x52: {  	_ =	shalt  }
0x53: {  	_ =	shalt  }
0x54: {  	_ =	shalt  }
0x55: {  	_ =	shalt  }
0x56: {  	_ =	shalt  }
0x57: {  	_ =	shalt  }
0x58: {  	_ =	shalt  }
0x59: {  	_ =	shalt  }
0x5a: {  	_ =	shalt  }
0x5b: {  	_ =	shalt  }
0x5c: {  	_ =	shalt  }
0x5d: {  	_ =	shalt  }
0x5e: {  	_ =	shalt  }
0x5f: {  	_ =	shalt  }
0x60: {  	_ =	shalt  }
0x61: {  	_ =	shalt  }
0x62: {  	_ =	shalt  }
0x63: {  	_ =	shalt  }
0x64: {  	_ =	shalt  }
0x65: {  	_ =	shalt  }
0x66: {  	_ =	shalt  }
0x67: {  	_ =	shalt  }
0x68: {  	_ =	shalt  }
0x69: {  	_ =	shalt  }
0x6a: {  	_ =	shalt  }
0x6b: {  	_ =	shalt  }
0x6c: {  	_ =	shalt  }
0x6d: {  	_ =	shalt  }
0x6e: {  	_ =	shalt  }
0x6f: {  	_ =	shalt  }
0x70: {  	_ =	shalt  }
0x71: {  	_ =	shalt  }
0x72: {  	_ =	shalt  }
0x73: {  	_ =	shalt  }
0x74: {  	_ =	shalt  }
0x75: {  	_ =	shalt  }
0x76: {  	_ =	shalt  }
0x77: {  	_ =	shalt  }
0x78: {  	_ =	shalt  }
0x79: {  	_ =	shalt  }
0x7a: {  	_ =	shalt  }
0x7b: {  	_ =	shalt  }
0x7c: {  	_ =	shalt  }
0x7d: {  	_ =	shalt  }
0x7e: {  	_ =	shalt  }
0x7f: {  	_ =	shalt  }
0x80: {  	_ =	shalt  }
0x81: {  	_ =	shalt  }
0x82: {  	_ =	shalt  }
0x83: {  	_ =	shalt  }
0x84: {  	_ =	shalt  }
0x85: {  	_ =	shalt  }
0x86: {  	_ =	shalt  }
0x87: {  	_ =	shalt  }
.Lfunc_end0:
.L_simem_size_0:
called_computation_lowered:
.L_overlay_start_0:
0x88: {  	s2 =	sld [smem:$0x3FD9]  }
0x89: {  	s3 =	sld [smem:$0x3FFE];
	_ =	sdelay $0x1  }
0x8a: {  	s1 =	srdreg.scid  }
0x8b: {  	s0 =	sand.u32 $0x1, s1  }
0x8c: {  	s18 =	sshll.u32 s0, $0xA;
	s2 =	sadd.s32 s3, s2  }
0x8d: {  	s2 =	sadd.s32 s2, s18  }
0x8e: {  	[smem:$0x3FC6] =	sst s2  }
0x8f: {  	_ = 	snop  }
0x90: {  	s2 =	sld [smem:$0x3FC9]  }
0x91: {  	s19 =	sld [smem:$0x3FC8]  }
0x92: {  	s4 =	sld [smem:$0x3FD0];
	(tm) =	ssettm $0x1  }
0x93: {  	s5 =	sld [smem:$0x3FFB];
	_ =	sdelay $0x3  }
0x94: {  	_ =	strace s5  }
0x95: {  	s5 =	sld [smem:$0x3FFC];
	_ =	sdelay $0x3  }
0x96: {  	_ =	strace s5  }
0x97: {  	s5 =	sld [smem:$0x3FFD];
	_ =	sdelay $0x3  }
0x98: {  	_ =	strace s5  }
0x99: {  	_ =	strace $0x8FFFFFFF  }
0x9a: {  	s20 =	sld [smem:$0x3FDB];
	_ =	sdelay $0x1  }
0x9b: {  	s6 =	simm.s32 $_scs_section_size  }
0x9c: {  	s7 =	simm.s32 $_size__tile_overlayer_lowered;
	s8 =	simm.s32 $_tile_overlayer_lowered  }
0x9d: {  	s23 =	simm.s32 $0x1BFF;
	s22 =	sshll.u32 s8, $0x1;
	s5 =	sadd.s32 s6, s20  }
0x9e: {  	s9 =	simm.s32 $0x0;
	s21 =	sshll.u32 s7, $0x1;
	s7 =	sadd.s32 s22, s5  }
0x9f: {  	[timem:s9], [sflag:s23] =	dma.local [hbm:s7], s21  }
0xa0: {  	_ =	swait.ge [sflag:s23], s21  }
0xa1: {  	s6 =	ssub.s32 $0x0, s21;
	[sflag:s23] =	ssyncset.done $0x0  }
0xa2: {  	[sflag:s23] =	ssyncadd.s32 s6;
	_ =	sdelay $0x1  }
0xa3: {  	s24 =	simm.s32 $0x1B8B  }
0xa4: {  	_ =	swait.ge [sflag:s24], $0x1  }
0xa5: {  	[sflag:s24] =	ssyncset.done $0x0  }
0xa6: {  	s25 =	simm.s32 $0x1B8E;
	[sflag:s24] =	ssyncadd.s32 $0xFFFFFFFF  }
0xa7: {  	s26 =	simm.s32 $execute0_lowered;
	[smem:$0x3FD2] =	sst s25  }
0xa8: {  	s6 =	sshll.u32 s26, $0x1;
	_ =	strace $0x80000046;
	[dreg:$0x1] =	wrdreg $0xFFFFFFFF  }
0xa9: {  	s28 =	simm.s32 $_size_execute0_lowered;
	s5 =	sadd.s32 s5, s6;
	[dreg:$0x0] =	wrdreg $0x0  }
0xaa: {  	s6 =	sshll.u32 s28, $0x1;
	[dreg:$0x2] =	wrdreg s5  }
0xab: {  	[dreg:$0x3] =	wrdreg s6  }
0xac: {  	[dreg:$0x4] =	wrdreg $0xC0  }
0xad: {  	_ =	task [dreg:s9], $0x5FFFF  }
0xae: {  	[dreg:$0x1] =	wrdreg $0xFFFFFFFF  }
0xaf: {  	[dreg:$0x0] =	wrdreg $0x60  }
0xb0: {  	[dreg:$0x2] =	wrdreg s2  }
0xb1: {  	[dreg:$0x3] =	wrdreg s19  }
0xb2: {  	[dreg:$0x4] =	wrdreg s4  }
0xb3: {  	[dreg:$0x5] =	wrdreg $0x9  }
0xb4: {  	_ =	task.clear_ibuf [dreg:s9], $0x6FFFF;
	_ =	strace $0x90000046  }
0xb5: {  	s29 =	simm.s32 $0x9;
	_ =	strace $0x80000048  }
0xb6: {  	_ =	swait.ge [sflag:s29], $0x1  }
0xb7: {  	[sflag:s29] =	ssyncadd.s32 $0xFFFFFFFF  }
0xb8: {  	_ =	strace $0x90000048  }
0xb9: {  	_ =	sfence  }
0xba: {  	s30 =	sld [smem:$0x0];
	_ =	sdelay $0x2  }
0xbb: {  	s31 =	sshll.u32 s1, $0xD;
	s1 =	sshrl.u32 s1, $0x2  }
0xbc: {  	s3 =	sand.u32 $0x4000, s31;
	s1 =	sadd.s32 s1, s30  }
0xbd: {  	s0 =	sor.u32 s3, s0;
	s1 =	sshll.u32 s1, $0x11  }
0xbe: {  	s0 =	sor.u32 s1, s0  }
0xbf: {  	s0 =	sadd.s32 $0x8F2B, s0  }
0xc0: {  	[sflag:s0] =	ssyncadd.remote.s32 $0x1  }
0xc1: {  	_ =	sfence.sel $0xFFFF  }
0xc2: {  	[dreg:$0x0] =	wrdreg $0xFFFFFFFF;
	(pc) =	sbr.abs _section_cstart, $3  }
0xc3: {  	[dreg:$0x1] =	wrdreg $0xFFFFFFFF  }
0xc4: {  	_ =	task.clear_ibuf [dreg:s9], $0x2FFFF;
	_ =	strace $0x9FFFFFFF  }
0xc5: {  	(tm) =	ssettm $0x7FFFFFFF  }
tec
execute0_lowered:
.L_overlay_start_1:
0x0: {  	(tag) =	ssettag $0x1  }
0x1: {  	v0 =	vimm.s32 $0xB80  }
0x2: {  	vm14 =	vcmask $0x300;
	vm13 =	vcmask $0x704;
	vm12 =	vcmask $0xB08  }
0x3: {  	vm11 =	vcmask $0xF0C;
	vm10 =	vcmask $0x1310;
	vm9 =	vcmask $0x1714  }
0x4: {  	vm8 =	vcmask $0x1B18;
	vm7 =	vcmask $0x1F1C;
	vm6 =	vcmask $0x2320  }
0x5: {  	vm5 =	vcmask $0x2724;
	vm4 =	vcmask $0x2B28;
	vm3 =	vcmask $0x2F2C  }
0x6: {  	vm2 =	vcmask $0x3330;
	vm1 =	vcmask $0x3734;
	vm0 =	vcmask $0x3B38  }
0x7: {  	v1 =	vimm.s32 $0x1B80;
	v2 =	vimm.s32 $0x2B80;
	v3 =	vimm.s32 $0x3B80  }
0x8: {  	v0 =	vsel vm14, $0x0, v0;
	v1 =	vsel vm14, $0x1000, v1;
	v2 =	vsel vm14, $0x2000, v2  }
0x9: {  	v3 =	vsel vm14, $0x3000, v3;
	v0 =	vsel vm13, $0x80, v0;
	v1 =	vsel vm13, $0x1080, v1  }
0xa: {  	s1 =	rddreg [dreg:$0x0];
	v2 =	vsel vm13, $0x2080, v2;
	v3 =	vsel vm13, $0x3080, v3;
	v0 =	vsel vm12, $0x100, v0  }
0xb: {  	s0 =	rddreg [dreg:$0x1];
	v1 =	vsel vm12, $0x1100, v1;
	v2 =	vsel vm12, $0x2100, v2;
	v3 =	vsel vm12, $0x3100, v3  }
0xc: {  	s6 =	rddreg [dreg:$0x2];
	s2 =	srdreg.scid;
	v0 =	vsel vm11, $0x180, v0;
	v1 =	vsel vm11, $0x1180, v1;
	v2 =	vsel vm11, $0x2180, v2  }
0xd: {  	s3 =	stileid.u32;
	s4 =	simm.s32 $0x0;
	s29 =	simm.s32 $0x17400;
	v3 =	vsel vm11, $0x3180, v3;
	v0 =	vsel vm10, $0x200, v0;
	v1 =	vsel vm10, $0x1200, v1  }
0xe: {  	s30 =	simm.s32 $0x17C00;
	s31 =	simm.s32 $0x18400;
	s11 =	simm.s32 $0x19C00;
	v2 =	vsel vm10, $0x2200, v2;
	v3 =	vsel vm10, $0x3200, v3;
	v0 =	vsel vm9, $0x280, v0  }
0xf: {  	s12 =	simm.s32 $0x2;
	s15 =	simm.s32 $0x1A400;
	s16 =	simm.s32 $0x1AC00;
	v1 =	vsel vm9, $0x1280, v1;
	v2 =	vsel vm9, $0x2280, v2;
	v3 =	vsel vm9, $0x3280, v3  }
0x10: {  	s17 =	simm.s32 $0x1B400;
	s18 =	simm.s32 $0x1BC00;
	s19 =	simm.s32 $0x1C400;
	v0 =	vsel vm8, $0x300, v0;
	v1 =	vsel vm8, $0x1300, v1;
	v2 =	vsel vm8, $0x2300, v2  }
0x11: {  	s20 =	simm.s32 $0x1CC00;
	s21 =	simm.s32 $0x1D400;
	s22 =	simm.s32 $0x1DC00;
	v3 =	vsel vm8, $0x3300, v3;
	v0 =	vsel vm7, $0x380, v0;
	v1 =	vsel vm7, $0x1380, v1  }
0x12: {  	s10 =	simm.s32 $0x6;
	s2 =	sand.u32 $0x1, s2;
	s3 =	sshll.u32 s3, $0xB;
	v2 =	vsel vm7, $0x2380, v2;
	v3 =	vsel vm7, $0x3380, v3;
	v0 =	vsel vm6, $0x800, v0  }
0x13: {  	[smem:$0x7FF] =	sst s4;
	s24 =	sadd.s32 $0x8000, s6;
	s25 =	sadd.s32 $0x10000, s6;
	v1 =	vsel vm6, $0x1800, v1;
	v2 =	vsel vm6, $0x2800, v2;
	v3 =	vsel vm6, $0x3800, v3  }
0x14: {  	s26 =	sadd.s32 $0x18000, s6;
	_ =	strace $0x80000047;
	[dreg:$0x6] =	wrdreg s24;
	v0 =	vsel vm5, $0x880, v0;
	v1 =	vsel vm5, $0x1880, v1;
	v2 =	vsel vm5, $0x2880, v2  }
0x15: {  	s6 =	simm.s32 $0x4;
	s5 =	sshll.u32 s2, $0xA;
	[dreg:$0x7] =	wrdreg s25;
	v3 =	vsel vm5, $0x3880, v3;
	v0 =	vsel vm4, $0x900, v0;
	v1 =	vsel vm4, $0x1900, v1  }
0x16: {  	s2 =	ssub.s32 $0x2, s2;
	[dreg:$0x8] =	wrdreg s26;
	s25 =	simm.s32 $0x1;
	v2 =	vsel vm4, $0x2900, v2;
	v3 =	vsel vm4, $0x3900, v3;
	v0 =	vsel vm3, $0x980, v0  }
0x17: {  	s26 =	simm.s32 $0x16400;
	s24 =	simm.s32 $0x5;
	s5 =	sor.u32 s5, s3;
	v1 =	vsel vm3, $0x1980, v1;
	v2 =	vsel vm3, $0x2980, v2;
	v3 =	vsel vm3, $0x3980, v3  }
0x18: {  	s23 =	sshrl.u32 s2, $0x1;
	[dreg:$0x4] =	wrdreg s5;
	s5 =	sshrl.u32 s5, $0x3;
	v0 =	vsel vm2, $0xA00, v0;
	v1 =	vsel vm2, $0x1A00, v1;
	v2 =	vsel vm2, $0x2A00, v2  }
0x19: {  	s3 =	simm.s32 $0x19400;
	s2 =	ssub.s32 s2, s23;
	s1 =	sadd.s32 s1, s5;
	v3 =	vsel vm2, $0x3A00, v3;
	v0 =	vsel vm1, $0xA80, v0;
	v1 =	vsel vm1, $0x1A80, v1  }
0x1a: {  	s23 =	simm.s32 $0x3;
	s28 =	smax.u32 s2, $0x1;
	[dreg:$0x5] =	wrdreg s1;
	v2 =	vsel vm1, $0x2A80, v2;
	v3 =	vsel vm1, $0x3A80, v3;
	v0 =	vsel vm0, $0xB00, v0  }
0x1b: {  	s5 =	simm.s32 $0x0;
	[dreg:$0x9] =	wrdreg s28;
	s1 =	simm.s32 $0x18C00;
	v1 =	vsel vm0, $0x1B00, v1;
	v2 =	vsel vm0, $0x2B00, v2;
	v3 =	vsel vm0, $0x3B00, v3  }
.LBB2_1:
0x1c: {  	[dreg:$0xa] =	wrdreg s5  }
0x1d: {  	s2 =	rddreg [dreg:$0x5]  }
0x1e: {  	s28 =	simm.s32 $0x400;
	s7 =	simm.s32 $0x8000;
	s5 =	simm.s32 $0x7  }
0x1f: {  	[tilespmem:s4], [sflag:$0x7] =	stream.strided.gather [hbm4b:s2+s28], $0x6400, s7, s28, $0x38;
	[tilespmem:$0x1E400] =	vst v63  }
0x20: {  	_ =	swait.ge [sflag:s5], $0x6400  }
0x21: {  	[sflag:s5] =	ssyncset.done $0x0  }
0x22: {  	s2 =	simm.s32 $0x20;
	s7 =	simm.s32 $0x6400;
	[sflag:s5] =	ssyncadd.s32 $0xFFFF9C00  }
0x23: {  	[tilespmem:s7], [sflag:$0x1] =	stream.indirect.gather [hbm4b:s0+s2], $0x80, s4, s2, $0xb8;
	[tilespmem:$0x1E400] =	vst v63  }
0x24: {  	s8 =	simm.s32 $0x7400  }
0x25: {  	[tilespmem:s8], [sflag:$0x1] =	stream.indirect.gather [hbm4b:s0+s2], $0x80, s2, s2, $0xb8;
	[tilespmem:$0x1E400] =	vst v63  }
0x26: {  	s9 =	simm.s32 $0x40;
	s13 =	simm.s32 $0x8400  }
0x27: {  	[tilespmem:s13], [sflag:$0x1] =	stream.indirect.gather [hbm4b:s0+s2], $0x80, s9, s2, $0xb8;
	[tilespmem:$0x1E400] =	vst v63  }
0x28: {  	s14 =	simm.s32 $0x60;
	s28 =	simm.s32 $0x9400  }
0x29: {  	[tilespmem:s28], [sflag:$0x1] =	stream.indirect.gather [hbm4b:s0+s2], $0x80, s14, s2, $0xb8;
	[tilespmem:$0x1E400] =	vst v63  }
0x2a: {  	s7 =	simm.s32 $0x80;
	s8 =	simm.s32 $0xA400  }
0x2b: {  	[tilespmem:s8], [sflag:$0x2] =	stream.indirect.gather [hbm4b:s0+s2], $0x80, s7, s2, $0xb8;
	[tilespmem:$0x1E400] =	vst v63  }
0x2c: {  	s9 =	simm.s32 $0xA0;
	s13 =	simm.s32 $0xB400  }
0x2d: {  	[tilespmem:s13], [sflag:$0x2] =	stream.indirect.gather [hbm4b:s0+s2], $0x80, s9, s2, $0xb8;
	[tilespmem:$0x1E400] =	vst v63  }
0x2e: {  	s14 =	simm.s32 $0xC0;
	s28 =	simm.s32 $0xC400  }
0x2f: {  	[tilespmem:s28], [sflag:$0x2] =	stream.indirect.gather [hbm4b:s0+s2], $0x80, s14, s2, $0xb8;
	[tilespmem:$0x1E400] =	vst v63  }
0x30: {  	s7 =	simm.s32 $0xE0;
	s8 =	simm.s32 $0xD400  }
0x31: {  	[tilespmem:s8], [sflag:$0x2] =	stream.indirect.gather [hbm4b:s0+s2], $0x80, s7, s2, $0xb8;
	[tilespmem:$0x1E400] =	vst v63  }
0x32: {  	s9 =	simm.s32 $0x100;
	s13 =	simm.s32 $0xE400  }
0x33: {  	[tilespmem:s13], [sflag:$0x3] =	stream.indirect.gather [hbm4b:s0+s2], $0x80, s9, s2, $0xb8;
	[tilespmem:$0x1E400] =	vst v63  }
0x34: {  	s14 =	simm.s32 $0x120;
	s28 =	simm.s32 $0xF400  }
0x35: {  	[tilespmem:s28], [sflag:$0x3] =	stream.indirect.gather [hbm4b:s0+s2], $0x80, s14, s2, $0xb8;
	[tilespmem:$0x1E400] =	vst v63  }
0x36: {  	s7 =	simm.s32 $0x140;
	s8 =	simm.s32 $0x10400  }
0x37: {  	[tilespmem:s8], [sflag:$0x3] =	stream.indirect.gather [hbm4b:s0+s2], $0x80, s7, s2, $0xb8;
	[tilespmem:$0x1E400] =	vst v63  }
0x38: {  	s9 =	simm.s32 $0x160;
	s13 =	simm.s32 $0x11400  }
0x39: {  	[tilespmem:s13], [sflag:$0x3] =	stream.indirect.gather [hbm4b:s0+s2], $0x80, s9, s2, $0xb8;
	[tilespmem:$0x1E400] =	vst v63  }
0x3a: {  	s14 =	simm.s32 $0x180;
	s28 =	simm.s32 $0x12400  }
0x3b: {  	[tilespmem:s28], [sflag:$0x4] =	stream.indirect.gather [hbm4b:s0+s2], $0x80, s14, s2, $0xb8;
	[tilespmem:$0x1E400] =	vst v63  }
0x3c: {  	s7 =	simm.s32 $0x1A0;
	s8 =	simm.s32 $0x13400  }
0x3d: {  	[tilespmem:s8], [sflag:$0x4] =	stream.indirect.gather [hbm4b:s0+s2], $0x80, s7, s2, $0xb8;
	[tilespmem:$0x1E400] =	vst v63  }
0x3e: {  	s9 =	simm.s32 $0x1C0;
	s13 =	simm.s32 $0x14400  }
0x3f: {  	[tilespmem:s13], [sflag:$0x4] =	stream.indirect.gather [hbm4b:s0+s2], $0x80, s9, s2, $0xb8;
	[tilespmem:$0x1E400] =	vst v63  }
0x40: {  	s14 =	simm.s32 $0x1E0;
	s28 =	simm.s32 $0x15400;
	s13 =	simm.s32 $0x0  }
0x41: {  	[tilespmem:s28], [sflag:$0x4] =	stream.indirect.gather [hbm4b:s0+s2], $0x80, s14, s2, $0xb8;
	[tilespmem:$0x1E400] =	vst v63  }
.LBB2_2:
0x42: {  	_ =	swait.ge [sflag:s25], $0x1000  }
0x43: {  	[sflag:s25] =	ssyncset.done $0x0  }
0x44: {  	[sflag:s25] =	ssyncadd.s32 $0xFFFFF000  }
0x45: {  	_ =	swait.ge [sflag:s25], $0x1000  }
0x46: {  	[sflag:s25] =	ssyncset.done $0x0  }
0x47: {  	[sflag:s25] =	ssyncadd.s32 $0xFFFFF000  }
0x48: {  	_ =	swait.ge [sflag:s25], $0x1000  }
0x49: {  	[sflag:s25] =	ssyncset.done $0x0  }
0x4a: {  	[sflag:s25] =	ssyncadd.s32 $0xFFFFF000  }
0x4b: {  	_ =	swait.ge [sflag:s25], $0x1000  }
0x4c: {  	p1 =	seq.s32 s13, $0x0;
	[sflag:s25] =	ssyncset.done $0x0  }
0x4d: {  	s2 =	simm.s32 @!p1 $0x5;
	[sflag:s25] =	ssyncadd.s32 $0xFFFFF000  }
0x4e: {  	_ =	swait.ge @!p1 [sflag:s2], $0x2000  }
0x4f: {  	[sflag:s2] =	ssyncset.done @!p1 $0x0  }
0x50: {  	s9 =	simm.s32 $0x6500;
	[sflag:s2] =	ssyncadd.s32 @!p1 $0xFFFFE000  }
0x51: {  	v5 =	vld [tilespmem:s9+$0x0]  }
0x52: {  	v9 =	vld [tilespmem:s9+$0x10]  }
0x53: {  	v10 =	vld [tilespmem:s9+$0x20]  }
0x54: {  	v11 =	vld [tilespmem:s9+$0x30]  }
0x55: {  	v12 =	vld [tilespmem:s9+$0x80]  }
0x56: {  	v13 =	vld [tilespmem:s9+$0x90]  }
0x57: {  	s5 =	simm.s32 $0x2;
	v14 =	vld [tilespmem:s9+$0xA0]  }
0x58: {  	v8 =	vor.u32 s5, v0;
	v16 =	vld [tilespmem:s9+$0xB0]  }
0x59: {  	v15 =	vor.u32 s5, v1;
	v17 =	vld [tilespmem:s9+$0xFFFFFF10]  }
0x5a: {  	v19 =	vor.u32 s5, v2;
	v18 =	vld [tilespmem:s9+$0xFFFFFF20]  }
0x5b: {  	s14 =	simm.s32 $0x3;
	v20 =	vor.u32 s5, v3;
	v6 =	vld [tilespmem:s9+$0xFFFFFF30]  }
0x5c: {  	v21 =	vor.u32 s14, v0;
	v7 =	vld [tilespmem:s9+$0xFFFFFF80]  }
0x5d: {  	v22 =	vor.u32 s14, v1;
	s5 =	simm.s32 $0x6700;
	v4 =	vld [tilespmem:s9+$0xFFFFFF90];
	[tilespmem:v8+s26+$0x0] =	vst.idx.msk $0xffff, v5  }
0x5e: {  	v23 =	vld [tilespmem:s5+$0x0];
	[tilespmem:v15+s26+$0x0] =	vst.idx.msk $0xffff, v9;
	v9 =	vor.u32 s14, v2  }
0x5f: {  	s7 =	simm.s32 $0x0;
	v24 =	vld [tilespmem:s5+$0x10];
	[tilespmem:v19+s26+$0x0] =	vst.idx.msk $0xffff, v10;
	v10 =	vor.u32 s14, v3  }
0x60: {  	v19 =	vld [tilespmem:s9+$0xFFFFFF00];
	[tilespmem:v20+s26+$0x0] =	vst.idx.msk $0xffff, v11;
	v20 =	vor.u32 s7, v0  }
0x61: {  	v8 =	vld [tilespmem:s9+$0xFFFFFFA0];
	[tilespmem:v21+s26+$0x0] =	vst.idx.msk $0xffff, v12;
	v21 =	vor.u32 s7, v1  }
0x62: {  	s28 =	simm.s32 $0x6;
	v5 =	vld [tilespmem:s9+$0xFFFFFFB0];
	[tilespmem:v22+s26+$0x0] =	vst.idx.msk $0xffff, v13;
	v22 =	vor.u32 s7, v2  }
0x63: {  	v15 =	vld [tilespmem:s5+$0x30];
	[tilespmem:v9+s26+$0x0] =	vst.idx.msk $0xffff, v14;
	v9 =	vor.u32 s28, v0  }
0x64: {  	v25 =	vor.u32 s28, v1;
	v11 =	vld [tilespmem:s5+$0x20];
	[tilespmem:v10+s26+$0x0] =	vst.idx.msk $0xffff, v16  }
0x65: {  	v12 =	vld [tilespmem:s5+$0x80];
	[tilespmem:v20+s26+$0x0] =	vst.idx.msk $0xffff, v19;
	v20 =	vor.u32 s28, v2  }
0x66: {  	s9 =	simm.s32 $0x7;
	v13 =	vld [tilespmem:s5+$0x90];
	v16 =	vor.u32 s28, v3;
	[tilespmem:v21+s26+$0x0] =	vst.idx.msk $0xffff, v17  }
0x67: {  	v14 =	vld [tilespmem:s5+$0xA0];
	v17 =	vor.u32 s9, v0;
	[tilespmem:v22+s26+$0x0] =	vst.idx.msk $0xffff, v18  }
0x68: {  	v10 =	vld [tilespmem:s5+$0xB0];
	v18 =	vor.u32 s9, v1;
	[tilespmem:v9+s26+$0x0] =	vst.idx.msk $0xffff, v23  }
0x69: {  	s8 =	simm.s32 $0x8;
	s2 =	sshll.u32 s13, $0x14;
	s14 =	simm.s32 $0x4;
	v19 =	vor.u32 s9, v2;
	v9 =	vld [tilespmem:s5+$0xFFFFFF10];
	[tilespmem:v25+s26+$0x0] =	vst.idx.msk $0xffff, v24  }
.LBB2_3:
0x6a: {  	p0 =	slt.u32 s8, $0x7C;
	v21 =	vld [tilespmem:s5+$0xFFFFFF20];
	[tilespmem:v20+s26+$0x0] =	vst.idx.msk $0xffff, v11;
	v11 =	vor.u32 s9, v3  }
0x6b: {  	s9 =	sadd.s32 $0x1, s7;
	v20 =	vld [tilespmem:s5+$0xFFFFFF30];
	[tilespmem:v16+s26+$0x0] =	vst.idx.msk $0xffff, v15;
	v15 =	vor.u32 s7, v3;
	s7 =	smov.u32 s14;
	s14 =	smov.u32 s8  }
0x6c: {  	v16 =	vld [tilespmem:s5+$0xFFFFFF80];
	[tilespmem:v17+s26+$0x0] =	vst.idx.msk $0xffff, v12;
	v12 =	vor.u32 s9, v0  }
0x6d: {  	v17 =	vld [tilespmem:s5+$0xFFFFFF90];
	[tilespmem:v18+s26+$0x0] =	vst.idx.msk $0xffff, v13;
	v13 =	vor.u32 s9, v1  }
0x6e: {  	v18 =	vld [tilespmem:s5+$0xFFFFFFA0];
	[tilespmem:v19+s26+$0x0] =	vst.idx.msk $0xffff, v14;
	v14 =	vor.u32 s9, v2  }
0x6f: {  	v19 =	vld [tilespmem:s5+$0xFFFFFFB0];
	[tilespmem:v11+s26+$0x0] =	vst.idx.msk $0xffff, v10;
	v10 =	vor.u32 s9, v3  }
0x70: {  	v23 =	vor.u32 s7, v0;
	v22 =	vld [tilespmem:s5+$0xFFFFFF00];
	s5 =	sadd.s32 $0x200, s5;
	[tilespmem:v15+s26+$0x0] =	vst.idx.msk $0xffff, v6;
	v6 =	vmov v20  }
0x71: {  	v25 =	vor.u32 s7, v1;
	v24 =	vld [tilespmem:s5+$0x0];
	[tilespmem:v12+s26+$0x0] =	vst.idx.msk $0xffff, v7;
	v7 =	vmov v16  }
0x72: {  	v27 =	vor.u32 s7, v2;
	s9 =	sadd.s32 $0x2, s8;
	v26 =	vld [tilespmem:s5+$0x10];
	[tilespmem:v13+s26+$0x0] =	vst.idx.msk $0xffff, v4;
	v4 =	vmov v17  }
0x73: {  	v28 =	vor.u32 s9, v0;
	v11 =	vld [tilespmem:s5+$0x20];
	[tilespmem:v14+s26+$0x0] =	vst.idx.msk $0xffff, v8;
	v8 =	vmov v18  }
0x74: {  	v29 =	vor.u32 s9, v1;
	v15 =	vld [tilespmem:s5+$0x30];
	[tilespmem:v10+s26+$0x0] =	vst.idx.msk $0xffff, v5;
	v5 =	vmov v19  }
.Ltmp0:
0x75: {  	v20 =	vor.u32 s9, v2;
	v12 =	vld [tilespmem:s5+$0x80];
	[tilespmem:v23+s26+$0x0] =	vst.idx.msk $0xffff, v22;
	(pc) =	sbr.rel @p0 .LBB2_3-.Ltmp0, $4  }
0x76: {  	v16 =	vor.u32 s9, v3;
	s9 =	sadd.s32 $0x3, s8;
	v13 =	vld [tilespmem:s5+$0x90];
	[tilespmem:v25+s26+$0x0] =	vst.idx.msk $0xffff, v9  }
0x77: {  	v17 =	vor.u32 s9, v0;
	v14 =	vld [tilespmem:s5+$0xA0];
	[tilespmem:v27+s26+$0x0] =	vst.idx.msk $0xffff, v21  }
0x78: {  	v18 =	vor.u32 s9, v1;
	v10 =	vld [tilespmem:s5+$0xB0];
	[tilespmem:v28+s26+$0x0] =	vst.idx.msk $0xffff, v24  }
0x79: {  	s8 =	sadd.s32 $0x4, s8;
	v19 =	vor.u32 s9, v2;
	v9 =	vld [tilespmem:s5+$0xFFFFFF10];
	[tilespmem:v29+s26+$0x0] =	vst.idx.msk $0xffff, v26  }
0x7a: {  	_ =	sdelay $0x3  }
0x7b: {  	[tilespmem:v20+s26+$0x0] =	vst.idx.msk $0xffff, v11;
	v11 =	vor.u32 s9, v3  }
0x7c: {  	s9 =	sadd.s32 $0x1, s7;
	[tilespmem:v16+s26+$0x0] =	vst.idx.msk $0xffff, v15;
	v15 =	vor.u32 s7, v3  }
0x7d: {  	[tilespmem:v17+s26+$0x0] =	vst.idx.msk $0xffff, v12;
	v12 =	vor.u32 s9, v0  }
0x7e: {  	[tilespmem:v18+s26+$0x0] =	vst.idx.msk $0xffff, v13;
	v13 =	vor.u32 s9, v1  }
0x7f: {  	[tilespmem:v19+s26+$0x0] =	vst.idx.msk $0xffff, v14;
	v14 =	vor.u32 s9, v2  }
0x80: {  	v16 =	vld [tilespmem:s5+$0xFFFFFF20];
	[tilespmem:v11+s26+$0x0] =	vst.idx.msk $0xffff, v10;
	v10 =	vor.u32 s9, v3  }
0x81: {  	v18 =	vor.u32 s14, v0;
	v11 =	vld [tilespmem:s5+$0xFFFFFF00];
	[tilespmem:v15+s26+$0x0] =	vst.idx.msk $0xffff, v6  }
0x82: {  	v17 =	vld [tilespmem:s5+$0xFFFFFF30];
	v15 =	vor.u32 s14, v1;
	[tilespmem:v12+s26+$0x0] =	vst.idx.msk $0xffff, v7  }
0x83: {  	v6 =	vld [tilespmem:s5+$0xFFFFFF80];
	v12 =	vor.u32 s14, v2;
	[tilespmem:v13+s26+$0x0] =	vst.idx.msk $0xffff, v4  }
0x84: {  	s8 =	sadd.s32 $0x1, s14;
	v7 =	vld [tilespmem:s5+$0xFFFFFF90];
	[tilespmem:v14+s26+$0x0] =	vst.idx.msk $0xffff, v8;
	v8 =	vor.u32 s14, v3  }
0x85: {  	v4 =	vld [tilespmem:s5+$0xFFFFFFA0];
	[tilespmem:v10+s26+$0x0] =	vst.idx.msk $0xffff, v5;
	v5 =	vor.u32 s8, v0  }
0x86: {  	v13 =	vld [tilespmem:s5+$0xFFFFFFB0];
	[tilespmem:v18+s26+$0x0] =	vst.idx.msk $0xffff, v11;
	v10 =	vor.u32 s8, v1  }
0x87: {  	[tilespmem:v15+s26+$0x0] =	vst.idx.msk $0xffff, v9;
	v9 =	vor.u32 s8, v2  }
0x88: {  	v11 =	vor.u32 s8, v3;
	[tilespmem:v12+s26+$0x0] =	vst.idx.msk $0xffff, v16  }
0x89: {  	[tilespmem:v8+s26+$0x0] =	vst.idx.msk $0xffff, v17  }
0x8a: {  	p0 =	seq.s32 s13, $0x31;
	[tilespmem:v5+s26+$0x0] =	vst.idx.msk $0xffff, v6  }
0x8b: {  	s5 =	sshll.u32 @!p0 s13, $0x9;
	[tilespmem:v10+s26+$0x0] =	vst.idx.msk $0xffff, v7  }
0x8c: {  	s14 =	sand.u32 @!p0 $0x3FFFFE00, s5;
	[tilespmem:v9+s26+$0x0] =	vst.idx.msk $0xffff, v4  }
0x8d: {  	s7 =	simm.s32 @!p0 $0x20;
	s5 =	sadd.s32 @!p0 $0x200, s14;
	s8 =	simm.s32 @!p0 $0x6400;
	[tilespmem:v11+s26+$0x0] =	vst.idx.msk $0xffff, v13  }
0x8e: {  	[tilespmem:s8], [sflag:$0x1] =	stream.indirect.gather @!p0 [hbm4b:s0+s7], $0x80, s5, s7, $0xb8;
	[tilespmem:$0x1E400] =	vst v63  }
0x8f: {  	s5 =	sadd.s32 @!p0 $0x220, s14;
	s8 =	simm.s32 @!p0 $0x7400  }
0x90: {  	[tilespmem:s8], [sflag:$0x1] =	stream.indirect.gather @!p0 [hbm4b:s0+s7], $0x80, s5, s7, $0xb8;
	[tilespmem:$0x1E400] =	vst v63  }
0x91: {  	s9 =	rddreg [dreg:$0x4];
	s5 =	sadd.s32 @!p0 $0x240, s14;
	s8 =	simm.s32 @!p0 $0x8400  }
0x92: {  	[tilespmem:s8], [sflag:$0x1] =	stream.indirect.gather @!p0 [hbm4b:s0+s7], $0x80, s5, s7, $0xb8;
	[tilespmem:$0x1E400] =	vst v63  }
0x93: {  	s2 =	sor.u32 s9, s2;
	s5 =	sadd.s32 @!p0 $0x260, s14;
	s8 =	simm.s32 @!p0 $0x9400  }
0x94: {  	[tilespmem:s8], [sflag:$0x1] =	stream.indirect.gather @!p0 [hbm4b:s0+s7], $0x80, s5, s7, $0xb8;
	[tilespmem:$0x1E400] =	vst v63  }
0x95: {  	s2 =	sshrl.u32 s2, $0x3;
	s7 =	rddreg [dreg:$0x2]  }
0x96: {  	s5 =	sadd.s32 s7, s2  }
0x97: {  	[hbm4b:s5+s4] =	stream.linear.scatter [tilespmem:s26], [sflag:$0x5], $0x400, $0x38;
	[tilespmem:$0x1E400] =	vst v63  }
0x98: {  	s9 =	simm.s32 $0x16C00;
	s8 =	sadd.s32 $0x1000, s5  }
0x99: {  	[hbm4b:s8+s4] =	stream.linear.scatter [tilespmem:s9], [sflag:$0x5], $0x400, $0x38;
	[tilespmem:$0x1E400] =	vst v63  }
0x9a: {  	s9 =	sadd.s32 $0x2000, s5  }
0x9b: {  	[hbm4b:s9+s4] =	stream.linear.scatter [tilespmem:s29], [sflag:$0x5], $0x400, $0x38;
	[tilespmem:$0x1E400] =	vst v63  }
0x9c: {  	s8 =	sadd.s32 $0x3000, s5  }
0x9d: {  	[hbm4b:s8+s4] =	stream.linear.scatter [tilespmem:s30], [sflag:$0x5], $0x400, $0x38;
	[tilespmem:$0x1E400] =	vst v63  }
0x9e: {  	s9 =	sadd.s32 $0x4000, s5  }
0x9f: {  	[hbm4b:s9+s4] =	stream.linear.scatter [tilespmem:s31], [sflag:$0x5], $0x400, $0x38;
	[tilespmem:$0x1E400] =	vst v63  }
0xa0: {  	s8 =	sadd.s32 $0x5000, s5  }
0xa1: {  	[hbm4b:s8+s4] =	stream.linear.scatter [tilespmem:s1], [sflag:$0x5], $0x400, $0x38;
	[tilespmem:$0x1E400] =	vst v63  }
0xa2: {  	s9 =	sadd.s32 $0x6000, s5  }
0xa3: {  	[hbm4b:s9+s4] =	stream.linear.scatter [tilespmem:s3], [sflag:$0x5], $0x400, $0x38;
	[tilespmem:$0x1E400] =	vst v63  }
0xa4: {  	s5 =	sadd.s32 $0x7000, s5  }
0xa5: {  	[hbm4b:s5+s4] =	stream.linear.scatter [tilespmem:s11], [sflag:$0x5], $0x400, $0x38;
	[tilespmem:$0x1E400] =	vst v63  }
0xa6: {  	_ =	swait.ge [sflag:s12], $0x1000  }
0xa7: {  	[sflag:s12] =	ssyncset.done $0x0  }
0xa8: {  	[sflag:s12] =	ssyncadd.s32 $0xFFFFF000  }
0xa9: {  	_ =	swait.ge [sflag:s12], $0x1000  }
0xaa: {  	[sflag:s12] =	ssyncset.done $0x0  }
0xab: {  	[sflag:s12] =	ssyncadd.s32 $0xFFFFF000  }
0xac: {  	_ =	swait.ge [sflag:s12], $0x1000  }
0xad: {  	[sflag:s12] =	ssyncset.done $0x0  }
0xae: {  	[sflag:s12] =	ssyncadd.s32 $0xFFFFF000  }
0xaf: {  	_ =	swait.ge [sflag:s12], $0x1000  }
0xb0: {  	[sflag:s12] =	ssyncset.done $0x0  }
0xb1: {  	s5 =	simm.s32 @!p1 $0x6;
	[sflag:s12] =	ssyncadd.s32 $0xFFFFF000  }
0xb2: {  	_ =	swait.ge @!p1 [sflag:s5], $0x2000  }
0xb3: {  	[sflag:s5] =	ssyncset.done @!p1 $0x0  }
0xb4: {  	[sflag:s5] =	ssyncadd.s32 @!p1 $0xFFFFE000;
	s5 =	simm.s32 $0xA500  }
0xb5: {  	v5 =	vld [tilespmem:s5+$0x0]  }
0xb6: {  	v9 =	vld [tilespmem:s5+$0x10]  }
0xb7: {  	v10 =	vld [tilespmem:s5+$0x20]  }
0xb8: {  	v11 =	vld [tilespmem:s5+$0x30]  }
0xb9: {  	v12 =	vld [tilespmem:s5+$0x80]  }
0xba: {  	v13 =	vld [tilespmem:s5+$0x90]  }
0xbb: {  	s8 =	simm.s32 $0x2;
	v14 =	vld [tilespmem:s5+$0xA0]  }
0xbc: {  	v8 =	vor.u32 s8, v0;
	v16 =	vld [tilespmem:s5+$0xB0]  }
0xbd: {  	v15 =	vor.u32 s8, v1;
	v17 =	vld [tilespmem:s5+$0xFFFFFF10]  }
0xbe: {  	v19 =	vor.u32 s8, v2;
	v18 =	vld [tilespmem:s5+$0xFFFFFF20]  }
0xbf: {  	v20 =	vor.u32 s8, v3;
	s9 =	simm.s32 $0x3;
	v6 =	vld [tilespmem:s5+$0xFFFFFF30]  }
0xc0: {  	v21 =	vor.u32 s9, v0;
	v7 =	vld [tilespmem:s5+$0xFFFFFF80]  }
0xc1: {  	v22 =	vor.u32 s9, v1;
	v4 =	vld [tilespmem:s5+$0xFFFFFF90];
	[tilespmem:v8+s15+$0x0] =	vst.idx.msk $0xffff, v5  }
0xc2: {  	v8 =	vld [tilespmem:s5+$0xFFFFFFA0];
	[tilespmem:v15+s15+$0x0] =	vst.idx.msk $0xffff, v9;
	v9 =	vor.u32 s9, v2  }
0xc3: {  	s7 =	simm.s32 $0x0;
	v5 =	vld [tilespmem:s5+$0xFFFFFFB0];
	[tilespmem:v19+s15+$0x0] =	vst.idx.msk $0xffff, v10;
	v10 =	vor.u32 s9, v3  }
0xc4: {  	v19 =	vld [tilespmem:s5+$0xFFFFFF00];
	s5 =	simm.s32 $0xA700;
	[tilespmem:v20+s15+$0x0] =	vst.idx.msk $0xffff, v11;
	v20 =	vor.u32 s7, v0  }
0xc5: {  	v23 =	vld [tilespmem:s5+$0x0];
	[tilespmem:v21+s15+$0x0] =	vst.idx.msk $0xffff, v12;
	v21 =	vor.u32 s7, v1  }
0xc6: {  	s9 =	simm.s32 $0x6;
	v24 =	vld [tilespmem:s5+$0x10];
	[tilespmem:v22+s15+$0x0] =	vst.idx.msk $0xffff, v13;
	v22 =	vor.u32 s7, v2  }
0xc7: {  	v11 =	vld [tilespmem:s5+$0x20];
	[tilespmem:v9+s15+$0x0] =	vst.idx.msk $0xffff, v14;
	v9 =	vor.u32 s9, v0  }
0xc8: {  	v15 =	vld [tilespmem:s5+$0x30];
	v25 =	vor.u32 s9, v1;
	[tilespmem:v10+s15+$0x0] =	vst.idx.msk $0xffff, v16  }
0xc9: {  	v12 =	vld [tilespmem:s5+$0x80];
	[tilespmem:v20+s15+$0x0] =	vst.idx.msk $0xffff, v19;
	v20 =	vor.u32 s9, v2  }
0xca: {  	s28 =	simm.s32 $0x7;
	v13 =	vld [tilespmem:s5+$0x90];
	v19 =	vor.u32 s9, v3;
	[tilespmem:v21+s15+$0x0] =	vst.idx.msk $0xffff, v17  }
0xcb: {  	v14 =	vld [tilespmem:s5+$0xA0];
	v16 =	vor.u32 s28, v0;
	[tilespmem:v22+s15+$0x0] =	vst.idx.msk $0xffff, v18  }
0xcc: {  	v10 =	vld [tilespmem:s5+$0xB0];
	v17 =	vor.u32 s28, v1;
	[tilespmem:v9+s15+$0x0] =	vst.idx.msk $0xffff, v23  }
0xcd: {  	s8 =	simm.s32 $0x4;
	s9 =	simm.s32 $0x8;
	v18 =	vor.u32 s28, v2;
	v9 =	vld [tilespmem:s5+$0xFFFFFF10];
	[tilespmem:v25+s15+$0x0] =	vst.idx.msk $0xffff, v24  }
.LBB2_5:
0xce: {  	p1 =	slt.u32 s9, $0x7C;
	v21 =	vld [tilespmem:s5+$0xFFFFFF20];
	[tilespmem:v20+s15+$0x0] =	vst.idx.msk $0xffff, v11;
	v11 =	vor.u32 s28, v3  }
0xcf: {  	s28 =	sadd.s32 $0x1, s7;
	v20 =	vld [tilespmem:s5+$0xFFFFFF30];
	[tilespmem:v19+s15+$0x0] =	vst.idx.msk $0xffff, v15;
	v15 =	vor.u32 s7, v3;
	s7 =	smov.u32 s8;
	s8 =	smov.u32 s9  }
0xd0: {  	v19 =	vld [tilespmem:s5+$0xFFFFFF80];
	[tilespmem:v16+s15+$0x0] =	vst.idx.msk $0xffff, v12;
	v12 =	vor.u32 s28, v0  }
0xd1: {  	v16 =	vld [tilespmem:s5+$0xFFFFFF90];
	[tilespmem:v17+s15+$0x0] =	vst.idx.msk $0xffff, v13;
	v13 =	vor.u32 s28, v1  }
0xd2: {  	v17 =	vld [tilespmem:s5+$0xFFFFFFA0];
	[tilespmem:v18+s15+$0x0] =	vst.idx.msk $0xffff, v14;
	v14 =	vor.u32 s28, v2  }
0xd3: {  	v18 =	vld [tilespmem:s5+$0xFFFFFFB0];
	[tilespmem:v11+s15+$0x0] =	vst.idx.msk $0xffff, v10;
	v10 =	vor.u32 s28, v3  }
0xd4: {  	v23 =	vor.u32 s7, v0;
	v22 =	vld [tilespmem:s5+$0xFFFFFF00];
	s5 =	sadd.s32 $0x200, s5;
	[tilespmem:v15+s15+$0x0] =	vst.idx.msk $0xffff, v6;
	v6 =	vmov v20  }
0xd5: {  	v25 =	vor.u32 s7, v1;
	v24 =	vld [tilespmem:s5+$0x0];
	[tilespmem:v12+s15+$0x0] =	vst.idx.msk $0xffff, v7;
	v7 =	vmov v19  }
0xd6: {  	v27 =	vor.u32 s7, v2;
	s28 =	sadd.s32 $0x2, s9;
	v26 =	vld [tilespmem:s5+$0x10];
	[tilespmem:v13+s15+$0x0] =	vst.idx.msk $0xffff, v4;
	v4 =	vmov v16  }
0xd7: {  	v28 =	vor.u32 s28, v0;
	v11 =	vld [tilespmem:s5+$0x20];
	[tilespmem:v14+s15+$0x0] =	vst.idx.msk $0xffff, v8;
	v8 =	vmov v17  }
0xd8: {  	v29 =	vor.u32 s28, v1;
	v15 =	vld [tilespmem:s5+$0x30];
	[tilespmem:v10+s15+$0x0] =	vst.idx.msk $0xffff, v5;
	v5 =	vmov v18  }
.Ltmp1:
0xd9: {  	v20 =	vor.u32 s28, v2;
	v12 =	vld [tilespmem:s5+$0x80];
	[tilespmem:v23+s15+$0x0] =	vst.idx.msk $0xffff, v22;
	(pc) =	sbr.rel @p1 .LBB2_5-.Ltmp1, $4  }
0xda: {  	v19 =	vor.u32 s28, v3;
	s28 =	sadd.s32 $0x3, s9;
	v13 =	vld [tilespmem:s5+$0x90];
	[tilespmem:v25+s15+$0x0] =	vst.idx.msk $0xffff, v9  }
0xdb: {  	v16 =	vor.u32 s28, v0;
	v14 =	vld [tilespmem:s5+$0xA0];
	[tilespmem:v27+s15+$0x0] =	vst.idx.msk $0xffff, v21  }
0xdc: {  	v17 =	vor.u32 s28, v1;
	v10 =	vld [tilespmem:s5+$0xB0];
	[tilespmem:v28+s15+$0x0] =	vst.idx.msk $0xffff, v24  }
0xdd: {  	s9 =	sadd.s32 $0x4, s9;
	v18 =	vor.u32 s28, v2;
	v9 =	vld [tilespmem:s5+$0xFFFFFF10];
	[tilespmem:v29+s15+$0x0] =	vst.idx.msk $0xffff, v26  }
0xde: {  	_ =	sdelay $0x3  }
0xdf: {  	[tilespmem:v20+s15+$0x0] =	vst.idx.msk $0xffff, v11;
	v11 =	vor.u32 s28, v3  }
0xe0: {  	s9 =	sadd.s32 $0x1, s7;
	[tilespmem:v19+s15+$0x0] =	vst.idx.msk $0xffff, v15;
	v15 =	vor.u32 s7, v3  }
0xe1: {  	[tilespmem:v16+s15+$0x0] =	vst.idx.msk $0xffff, v12;
	v12 =	vor.u32 s9, v0  }
0xe2: {  	[tilespmem:v17+s15+$0x0] =	vst.idx.msk $0xffff, v13;
	v13 =	vor.u32 s9, v1  }
0xe3: {  	[tilespmem:v18+s15+$0x0] =	vst.idx.msk $0xffff, v14;
	v14 =	vor.u32 s9, v2  }
0xe4: {  	v16 =	vld [tilespmem:s5+$0xFFFFFF20];
	[tilespmem:v11+s15+$0x0] =	vst.idx.msk $0xffff, v10;
	v10 =	vor.u32 s9, v3  }
0xe5: {  	v18 =	vor.u32 s8, v0;
	v11 =	vld [tilespmem:s5+$0xFFFFFF00];
	[tilespmem:v15+s15+$0x0] =	vst.idx.msk $0xffff, v6  }
0xe6: {  	v17 =	vld [tilespmem:s5+$0xFFFFFF30];
	v15 =	vor.u32 s8, v1;
	[tilespmem:v12+s15+$0x0] =	vst.idx.msk $0xffff, v7  }
0xe7: {  	v6 =	vld [tilespmem:s5+$0xFFFFFF80];
	v12 =	vor.u32 s8, v2;
	[tilespmem:v13+s15+$0x0] =	vst.idx.msk $0xffff, v4  }
0xe8: {  	s9 =	sadd.s32 $0x1, s8;
	v7 =	vld [tilespmem:s5+$0xFFFFFF90];
	[tilespmem:v14+s15+$0x0] =	vst.idx.msk $0xffff, v8;
	v8 =	vor.u32 s8, v3  }
0xe9: {  	v4 =	vld [tilespmem:s5+$0xFFFFFFA0];
	[tilespmem:v10+s15+$0x0] =	vst.idx.msk $0xffff, v5;
	v5 =	vor.u32 s9, v0  }
0xea: {  	v13 =	vld [tilespmem:s5+$0xFFFFFFB0];
	[tilespmem:v18+s15+$0x0] =	vst.idx.msk $0xffff, v11;
	v10 =	vor.u32 s9, v1  }
0xeb: {  	[tilespmem:v15+s15+$0x0] =	vst.idx.msk $0xffff, v9;
	v9 =	vor.u32 s9, v2  }
0xec: {  	v11 =	vor.u32 s9, v3;
	[tilespmem:v12+s15+$0x0] =	vst.idx.msk $0xffff, v16  }
0xed: {  	[tilespmem:v8+s15+$0x0] =	vst.idx.msk $0xffff, v17  }
0xee: {  	[tilespmem:v5+s15+$0x0] =	vst.idx.msk $0xffff, v6  }
0xef: {  	[tilespmem:v10+s15+$0x0] =	vst.idx.msk $0xffff, v7  }
0xf0: {  	[tilespmem:v9+s15+$0x0] =	vst.idx.msk $0xffff, v4  }
0xf1: {  	s7 =	simm.s32 @!p0 $0x20;
	s5 =	sadd.s32 @!p0 $0x280, s14;
	s8 =	simm.s32 @!p0 $0xA400;
	[tilespmem:v11+s15+$0x0] =	vst.idx.msk $0xffff, v13  }
0xf2: {  	[tilespmem:s8], [sflag:$0x2] =	stream.indirect.gather @!p0 [hbm4b:s0+s7], $0x80, s5, s7, $0xb8;
	[tilespmem:$0x1E400] =	vst v63  }
0xf3: {  	s5 =	sadd.s32 @!p0 $0x2A0, s14;
	s8 =	simm.s32 @!p0 $0xB400  }
0xf4: {  	[tilespmem:s8], [sflag:$0x2] =	stream.indirect.gather @!p0 [hbm4b:s0+s7], $0x80, s5, s7, $0xb8;
	[tilespmem:$0x1E400] =	vst v63  }
0xf5: {  	s5 =	sadd.s32 @!p0 $0x2C0, s14;
	s8 =	simm.s32 @!p0 $0xC400  }
0xf6: {  	[tilespmem:s8], [sflag:$0x2] =	stream.indirect.gather @!p0 [hbm4b:s0+s7], $0x80, s5, s7, $0xb8;
	[tilespmem:$0x1E400] =	vst v63  }
0xf7: {  	s5 =	sadd.s32 @!p0 $0x2E0, s14;
	s8 =	simm.s32 @!p0 $0xD400  }
0xf8: {  	[tilespmem:s8], [sflag:$0x2] =	stream.indirect.gather @!p0 [hbm4b:s0+s7], $0x80, s5, s7, $0xb8;
	[tilespmem:$0x1E400] =	vst v63  }
0xf9: {  	s8 =	rddreg [dreg:$0x6]  }
0xfa: {  	s5 =	simm.s32 $0x0;
	s7 =	sadd.s32 s2, s8  }
0xfb: {  	[hbm4b:s7+s5] =	stream.linear.scatter [tilespmem:s15], [sflag:$0x6], $0x400, $0x38;
	[tilespmem:$0x1E400] =	vst v63  }
0xfc: {  	s9 =	sadd.s32 $0x1000, s7  }
0xfd: {  	[hbm4b:s9+s5] =	stream.linear.scatter [tilespmem:s16], [sflag:$0x6], $0x400, $0x38;
	[tilespmem:$0x1E400] =	vst v63  }
0xfe: {  	s9 =	sadd.s32 $0x2000, s7  }
0xff: {  	[hbm4b:s9+s5] =	stream.linear.scatter [tilespmem:s17], [sflag:$0x6], $0x400, $0x38;
	[tilespmem:$0x1E400] =	vst v63  }
0x100: {  	s9 =	sadd.s32 $0x3000, s7  }
0x101: {  	[hbm4b:s9+s5] =	stream.linear.scatter [tilespmem:s18], [sflag:$0x6], $0x400, $0x38;
	[tilespmem:$0x1E400] =	vst v63  }
0x102: {  	s9 =	sadd.s32 $0x4000, s7  }
0x103: {  	[hbm4b:s9+s5] =	stream.linear.scatter [tilespmem:s19], [sflag:$0x6], $0x400, $0x38;
	[tilespmem:$0x1E400] =	vst v63  }
0x104: {  	s9 =	sadd.s32 $0x5000, s7  }
0x105: {  	[hbm4b:s9+s5] =	stream.linear.scatter [tilespmem:s20], [sflag:$0x6], $0x400, $0x38;
	[tilespmem:$0x1E400] =	vst v63  }
0x106: {  	s9 =	sadd.s32 $0x6000, s7  }
0x107: {  	[hbm4b:s9+s5] =	stream.linear.scatter [tilespmem:s21], [sflag:$0x6], $0x400, $0x38;
	[tilespmem:$0x1E400] =	vst v63  }
0x108: {  	s7 =	sadd.s32 $0x7000, s7  }
0x109: {  	[hbm4b:s7+s5] =	stream.linear.scatter [tilespmem:s22], [sflag:$0x6], $0x400, $0x38;
	[tilespmem:$0x1E400] =	vst v63  }
0x10a: {  	_ =	swait.ge [sflag:s23], $0x1000  }
0x10b: {  	[sflag:s23] =	ssyncset.done $0x0  }
0x10c: {  	[sflag:s23] =	ssyncadd.s32 $0xFFFFF000  }
0x10d: {  	_ =	swait.ge [sflag:s23], $0x1000  }
0x10e: {  	[sflag:s23] =	ssyncset.done $0x0  }
0x10f: {  	[sflag:s23] =	ssyncadd.s32 $0xFFFFF000  }
0x110: {  	_ =	swait.ge [sflag:s23], $0x1000  }
0x111: {  	[sflag:s23] =	ssyncset.done $0x0  }
0x112: {  	[sflag:s23] =	ssyncadd.s32 $0xFFFFF000  }
0x113: {  	_ =	swait.ge [sflag:s23], $0x1000  }
0x114: {  	[sflag:s23] =	ssyncset.done $0x0  }
0x115: {  	[sflag:s23] =	ssyncadd.s32 $0xFFFFF000  }
0x116: {  	_ =	swait.ge [sflag:s24], $0x2000  }
0x117: {  	[sflag:s24] =	ssyncset.done $0x0  }
0x118: {  	s7 =	simm.s32 $0xE500;
	[sflag:s24] =	ssyncadd.s32 $0xFFFFE000  }
0x119: {  	v5 =	vld [tilespmem:s7+$0x0]  }
0x11a: {  	v9 =	vld [tilespmem:s7+$0x10]  }
0x11b: {  	v10 =	vld [tilespmem:s7+$0x20]  }
0x11c: {  	v11 =	vld [tilespmem:s7+$0x30]  }
0x11d: {  	v12 =	vld [tilespmem:s7+$0x80]  }
0x11e: {  	v13 =	vld [tilespmem:s7+$0x90]  }
0x11f: {  	s9 =	simm.s32 $0x2;
	v14 =	vld [tilespmem:s7+$0xA0]  }
0x120: {  	v8 =	vor.u32 s9, v0;
	v16 =	vld [tilespmem:s7+$0xB0]  }
0x121: {  	v15 =	vor.u32 s9, v1;
	v17 =	vld [tilespmem:s7+$0xFFFFFF10]  }
0x122: {  	v19 =	vor.u32 s9, v2;
	v18 =	vld [tilespmem:s7+$0xFFFFFF20]  }
0x123: {  	v20 =	vor.u32 s9, v3;
	s9 =	simm.s32 $0x3;
	v6 =	vld [tilespmem:s7+$0xFFFFFF30]  }
0x124: {  	v21 =	vor.u32 s9, v0;
	v7 =	vld [tilespmem:s7+$0xFFFFFF80]  }
0x125: {  	v22 =	vor.u32 s9, v1;
	v4 =	vld [tilespmem:s7+$0xFFFFFF90];
	[tilespmem:v8+s26+$0x0] =	vst.idx.msk $0xffff, v5  }
0x126: {  	v8 =	vld [tilespmem:s7+$0xFFFFFFA0];
	[tilespmem:v15+s26+$0x0] =	vst.idx.msk $0xffff, v9;
	v9 =	vor.u32 s9, v2  }
0x127: {  	v5 =	vld [tilespmem:s7+$0xFFFFFFB0];
	[tilespmem:v19+s26+$0x0] =	vst.idx.msk $0xffff, v10;
	v10 =	vor.u32 s9, v3  }
0x128: {  	v19 =	vld [tilespmem:s7+$0xFFFFFF00];
	s7 =	simm.s32 $0xE700;
	[tilespmem:v20+s26+$0x0] =	vst.idx.msk $0xffff, v11;
	v20 =	vor.u32 s5, v0  }
0x129: {  	v23 =	vld [tilespmem:s7+$0x0];
	[tilespmem:v21+s26+$0x0] =	vst.idx.msk $0xffff, v12;
	v21 =	vor.u32 s5, v1  }
0x12a: {  	s9 =	simm.s32 $0x6;
	v24 =	vld [tilespmem:s7+$0x10];
	[tilespmem:v22+s26+$0x0] =	vst.idx.msk $0xffff, v13;
	v22 =	vor.u32 s5, v2  }
0x12b: {  	v11 =	vld [tilespmem:s7+$0x20];
	[tilespmem:v9+s26+$0x0] =	vst.idx.msk $0xffff, v14;
	v9 =	vor.u32 s9, v0  }
0x12c: {  	v15 =	vld [tilespmem:s7+$0x30];
	v25 =	vor.u32 s9, v1;
	[tilespmem:v10+s26+$0x0] =	vst.idx.msk $0xffff, v16  }
0x12d: {  	v12 =	vld [tilespmem:s7+$0x80];
	[tilespmem:v20+s26+$0x0] =	vst.idx.msk $0xffff, v19;
	v20 =	vor.u32 s9, v2  }
0x12e: {  	s28 =	simm.s32 $0x7;
	v13 =	vld [tilespmem:s7+$0x90];
	v19 =	vor.u32 s9, v3;
	[tilespmem:v21+s26+$0x0] =	vst.idx.msk $0xffff, v17  }
0x12f: {  	v14 =	vld [tilespmem:s7+$0xA0];
	v16 =	vor.u32 s28, v0;
	[tilespmem:v22+s26+$0x0] =	vst.idx.msk $0xffff, v18  }
0x130: {  	v10 =	vld [tilespmem:s7+$0xB0];
	v17 =	vor.u32 s28, v1;
	[tilespmem:v9+s26+$0x0] =	vst.idx.msk $0xffff, v23  }
0x131: {  	s8 =	simm.s32 $0x4;
	s9 =	simm.s32 $0x8;
	v18 =	vor.u32 s28, v2;
	v9 =	vld [tilespmem:s7+$0xFFFFFF10];
	[tilespmem:v25+s26+$0x0] =	vst.idx.msk $0xffff, v24  }
.LBB2_7:
0x132: {  	p1 =	slt.u32 s9, $0x7C;
	v21 =	vld [tilespmem:s7+$0xFFFFFF20];
	[tilespmem:v20+s26+$0x0] =	vst.idx.msk $0xffff, v11;
	v11 =	vor.u32 s28, v3  }
0x133: {  	s28 =	sadd.s32 $0x1, s5;
	v20 =	vld [tilespmem:s7+$0xFFFFFF30];
	[tilespmem:v19+s26+$0x0] =	vst.idx.msk $0xffff, v15;
	v15 =	vor.u32 s5, v3;
	s5 =	smov.u32 s8;
	s8 =	smov.u32 s9  }
0x134: {  	v19 =	vld [tilespmem:s7+$0xFFFFFF80];
	[tilespmem:v16+s26+$0x0] =	vst.idx.msk $0xffff, v12;
	v12 =	vor.u32 s28, v0  }
0x135: {  	v16 =	vld [tilespmem:s7+$0xFFFFFF90];
	[tilespmem:v17+s26+$0x0] =	vst.idx.msk $0xffff, v13;
	v13 =	vor.u32 s28, v1  }
0x136: {  	v17 =	vld [tilespmem:s7+$0xFFFFFFA0];
	[tilespmem:v18+s26+$0x0] =	vst.idx.msk $0xffff, v14;
	v14 =	vor.u32 s28, v2  }
0x137: {  	v18 =	vld [tilespmem:s7+$0xFFFFFFB0];
	[tilespmem:v11+s26+$0x0] =	vst.idx.msk $0xffff, v10;
	v10 =	vor.u32 s28, v3  }
0x138: {  	v23 =	vor.u32 s5, v0;
	v22 =	vld [tilespmem:s7+$0xFFFFFF00];
	s7 =	sadd.s32 $0x200, s7;
	[tilespmem:v15+s26+$0x0] =	vst.idx.msk $0xffff, v6;
	v6 =	vmov v20  }
0x139: {  	v25 =	vor.u32 s5, v1;
	v24 =	vld [tilespmem:s7+$0x0];
	[tilespmem:v12+s26+$0x0] =	vst.idx.msk $0xffff, v7;
	v7 =	vmov v19  }
0x13a: {  	v27 =	vor.u32 s5, v2;
	s28 =	sadd.s32 $0x2, s9;
	v26 =	vld [tilespmem:s7+$0x10];
	[tilespmem:v13+s26+$0x0] =	vst.idx.msk $0xffff, v4;
	v4 =	vmov v16  }
0x13b: {  	v28 =	vor.u32 s28, v0;
	v11 =	vld [tilespmem:s7+$0x20];
	[tilespmem:v14+s26+$0x0] =	vst.idx.msk $0xffff, v8;
	v8 =	vmov v17  }
0x13c: {  	v29 =	vor.u32 s28, v1;
	v15 =	vld [tilespmem:s7+$0x30];
	[tilespmem:v10+s26+$0x0] =	vst.idx.msk $0xffff, v5;
	v5 =	vmov v18  }
.Ltmp2:
0x13d: {  	v20 =	vor.u32 s28, v2;
	v12 =	vld [tilespmem:s7+$0x80];
	[tilespmem:v23+s26+$0x0] =	vst.idx.msk $0xffff, v22;
	(pc) =	sbr.rel @p1 .LBB2_7-.Ltmp2, $4  }
0x13e: {  	v19 =	vor.u32 s28, v3;
	s28 =	sadd.s32 $0x3, s9;
	v13 =	vld [tilespmem:s7+$0x90];
	[tilespmem:v25+s26+$0x0] =	vst.idx.msk $0xffff, v9  }
0x13f: {  	v16 =	vor.u32 s28, v0;
	v14 =	vld [tilespmem:s7+$0xA0];
	[tilespmem:v27+s26+$0x0] =	vst.idx.msk $0xffff, v21  }
0x140: {  	v17 =	vor.u32 s28, v1;
	v10 =	vld [tilespmem:s7+$0xB0];
	[tilespmem:v28+s26+$0x0] =	vst.idx.msk $0xffff, v24  }
0x141: {  	s9 =	sadd.s32 $0x4, s9;
	v18 =	vor.u32 s28, v2;
	v9 =	vld [tilespmem:s7+$0xFFFFFF10];
	[tilespmem:v29+s26+$0x0] =	vst.idx.msk $0xffff, v26  }
0x142: {  	_ =	sdelay $0x3  }
0x143: {  	[tilespmem:v20+s26+$0x0] =	vst.idx.msk $0xffff, v11;
	v11 =	vor.u32 s28, v3  }
0x144: {  	s9 =	sadd.s32 $0x1, s5;
	[tilespmem:v19+s26+$0x0] =	vst.idx.msk $0xffff, v15;
	v15 =	vor.u32 s5, v3  }
0x145: {  	[tilespmem:v16+s26+$0x0] =	vst.idx.msk $0xffff, v12;
	v12 =	vor.u32 s9, v0  }
0x146: {  	[tilespmem:v17+s26+$0x0] =	vst.idx.msk $0xffff, v13;
	v13 =	vor.u32 s9, v1  }
0x147: {  	[tilespmem:v18+s26+$0x0] =	vst.idx.msk $0xffff, v14;
	v14 =	vor.u32 s9, v2  }
0x148: {  	v16 =	vld [tilespmem:s7+$0xFFFFFF20];
	[tilespmem:v11+s26+$0x0] =	vst.idx.msk $0xffff, v10;
	v10 =	vor.u32 s9, v3  }
0x149: {  	v18 =	vor.u32 s8, v0;
	v11 =	vld [tilespmem:s7+$0xFFFFFF00];
	[tilespmem:v15+s26+$0x0] =	vst.idx.msk $0xffff, v6  }
0x14a: {  	v17 =	vld [tilespmem:s7+$0xFFFFFF30];
	v15 =	vor.u32 s8, v1;
	[tilespmem:v12+s26+$0x0] =	vst.idx.msk $0xffff, v7  }
0x14b: {  	v6 =	vld [tilespmem:s7+$0xFFFFFF80];
	v12 =	vor.u32 s8, v2;
	[tilespmem:v13+s26+$0x0] =	vst.idx.msk $0xffff, v4  }
0x14c: {  	s9 =	sadd.s32 $0x1, s8;
	v7 =	vld [tilespmem:s7+$0xFFFFFF90];
	[tilespmem:v14+s26+$0x0] =	vst.idx.msk $0xffff, v8;
	v8 =	vor.u32 s8, v3  }
0x14d: {  	v4 =	vld [tilespmem:s7+$0xFFFFFFA0];
	[tilespmem:v10+s26+$0x0] =	vst.idx.msk $0xffff, v5;
	v5 =	vor.u32 s9, v0  }
0x14e: {  	v13 =	vld [tilespmem:s7+$0xFFFFFFB0];
	[tilespmem:v18+s26+$0x0] =	vst.idx.msk $0xffff, v11;
	v10 =	vor.u32 s9, v1  }
0x14f: {  	[tilespmem:v15+s26+$0x0] =	vst.idx.msk $0xffff, v9;
	v9 =	vor.u32 s9, v2  }
0x150: {  	v11 =	vor.u32 s9, v3;
	[tilespmem:v12+s26+$0x0] =	vst.idx.msk $0xffff, v16  }
0x151: {  	[tilespmem:v8+s26+$0x0] =	vst.idx.msk $0xffff, v17  }
0x152: {  	[tilespmem:v5+s26+$0x0] =	vst.idx.msk $0xffff, v6  }
0x153: {  	[tilespmem:v10+s26+$0x0] =	vst.idx.msk $0xffff, v7  }
0x154: {  	[tilespmem:v9+s26+$0x0] =	vst.idx.msk $0xffff, v4  }
0x155: {  	s5 =	sadd.s32 @!p0 $0x300, s14;
	s7 =	simm.s32 @!p0 $0x20;
	s8 =	simm.s32 @!p0 $0xE400;
	[tilespmem:v11+s26+$0x0] =	vst.idx.msk $0xffff, v13  }
0x156: {  	[tilespmem:s8], [sflag:$0x3] =	stream.indirect.gather @!p0 [hbm4b:s0+s7], $0x80, s5, s7, $0xb8;
	[tilespmem:$0x1E400] =	vst v63  }
0x157: {  	s5 =	sadd.s32 @!p0 $0x320, s14;
	s8 =	simm.s32 @!p0 $0xF400  }
0x158: {  	[tilespmem:s8], [sflag:$0x3] =	stream.indirect.gather @!p0 [hbm4b:s0+s7], $0x80, s5, s7, $0xb8;
	[tilespmem:$0x1E400] =	vst v63  }
0x159: {  	s5 =	sadd.s32 @!p0 $0x340, s14;
	s8 =	simm.s32 @!p0 $0x10400  }
0x15a: {  	[tilespmem:s8], [sflag:$0x3] =	stream.indirect.gather @!p0 [hbm4b:s0+s7], $0x80, s5, s7, $0xb8;
	[tilespmem:$0x1E400] =	vst v63  }
0x15b: {  	s5 =	sadd.s32 @!p0 $0x360, s14;
	s8 =	simm.s32 @!p0 $0x11400  }
0x15c: {  	[tilespmem:s8], [sflag:$0x3] =	stream.indirect.gather @!p0 [hbm4b:s0+s7], $0x80, s5, s7, $0xb8;
	[tilespmem:$0x1E400] =	vst v63  }
0x15d: {  	s8 =	rddreg [dreg:$0x7]  }
0x15e: {  	s5 =	simm.s32 $0x0;
	s7 =	sadd.s32 s2, s8  }
0x15f: {  	[hbm4b:s7+s5] =	stream.linear.scatter [tilespmem:s26], [sflag:$0x5], $0x400, $0x38;
	[tilespmem:$0x1E400] =	vst v63  }
0x160: {  	s9 =	simm.s32 $0x16C00;
	s8 =	sadd.s32 $0x1000, s7  }
0x161: {  	[hbm4b:s8+s5] =	stream.linear.scatter [tilespmem:s9], [sflag:$0x5], $0x400, $0x38;
	[tilespmem:$0x1E400] =	vst v63  }
0x162: {  	s9 =	sadd.s32 $0x2000, s7  }
0x163: {  	[hbm4b:s9+s5] =	stream.linear.scatter [tilespmem:s29], [sflag:$0x5], $0x400, $0x38;
	[tilespmem:$0x1E400] =	vst v63  }
0x164: {  	s9 =	sadd.s32 $0x3000, s7  }
0x165: {  	[hbm4b:s9+s5] =	stream.linear.scatter [tilespmem:s30], [sflag:$0x5], $0x400, $0x38;
	[tilespmem:$0x1E400] =	vst v63  }
0x166: {  	s9 =	sadd.s32 $0x4000, s7  }
0x167: {  	[hbm4b:s9+s5] =	stream.linear.scatter [tilespmem:s31], [sflag:$0x5], $0x400, $0x38;
	[tilespmem:$0x1E400] =	vst v63  }
0x168: {  	s9 =	sadd.s32 $0x5000, s7  }
0x169: {  	[hbm4b:s9+s5] =	stream.linear.scatter [tilespmem:s1], [sflag:$0x5], $0x400, $0x38;
	[tilespmem:$0x1E400] =	vst v63  }
0x16a: {  	s9 =	sadd.s32 $0x6000, s7  }
0x16b: {  	[hbm4b:s9+s5] =	stream.linear.scatter [tilespmem:s3], [sflag:$0x5], $0x400, $0x38;
	[tilespmem:$0x1E400] =	vst v63  }
0x16c: {  	s7 =	sadd.s32 $0x7000, s7  }
0x16d: {  	[hbm4b:s7+s5] =	stream.linear.scatter [tilespmem:s11], [sflag:$0x5], $0x400, $0x38;
	[tilespmem:$0x1E400] =	vst v63  }
0x16e: {  	_ =	swait.ge [sflag:s6], $0x1000  }
0x16f: {  	[sflag:s6] =	ssyncset.done $0x0  }
0x170: {  	[sflag:s6] =	ssyncadd.s32 $0xFFFFF000  }
0x171: {  	_ =	swait.ge [sflag:s6], $0x1000  }
0x172: {  	[sflag:s6] =	ssyncset.done $0x0  }
0x173: {  	[sflag:s6] =	ssyncadd.s32 $0xFFFFF000  }
0x174: {  	_ =	swait.ge [sflag:s6], $0x1000  }
0x175: {  	[sflag:s6] =	ssyncset.done $0x0  }
0x176: {  	[sflag:s6] =	ssyncadd.s32 $0xFFFFF000  }
0x177: {  	_ =	swait.ge [sflag:s6], $0x1000  }
0x178: {  	[sflag:s6] =	ssyncset.done $0x0  }
0x179: {  	[sflag:s6] =	ssyncadd.s32 $0xFFFFF000  }
0x17a: {  	_ =	swait.ge [sflag:s10], $0x2000  }
0x17b: {  	[sflag:s10] =	ssyncset.done $0x0  }
0x17c: {  	s7 =	simm.s32 $0x12500;
	[sflag:s10] =	ssyncadd.s32 $0xFFFFE000  }
0x17d: {  	v5 =	vld [tilespmem:s7+$0x0]  }
0x17e: {  	v9 =	vld [tilespmem:s7+$0x10]  }
0x17f: {  	v10 =	vld [tilespmem:s7+$0x20]  }
0x180: {  	v11 =	vld [tilespmem:s7+$0x30]  }
0x181: {  	v12 =	vld [tilespmem:s7+$0x80]  }
0x182: {  	v13 =	vld [tilespmem:s7+$0x90]  }
0x183: {  	s9 =	simm.s32 $0x2;
	v14 =	vld [tilespmem:s7+$0xA0]  }
0x184: {  	v8 =	vor.u32 s9, v0;
	v16 =	vld [tilespmem:s7+$0xB0]  }
0x185: {  	v15 =	vor.u32 s9, v1;
	v17 =	vld [tilespmem:s7+$0xFFFFFF10]  }
0x186: {  	v19 =	vor.u32 s9, v2;
	v18 =	vld [tilespmem:s7+$0xFFFFFF20]  }
0x187: {  	v20 =	vor.u32 s9, v3;
	s9 =	simm.s32 $0x3;
	v6 =	vld [tilespmem:s7+$0xFFFFFF30]  }
0x188: {  	v21 =	vor.u32 s9, v0;
	v7 =	vld [tilespmem:s7+$0xFFFFFF80]  }
0x189: {  	v22 =	vor.u32 s9, v1;
	v4 =	vld [tilespmem:s7+$0xFFFFFF90];
	[tilespmem:v8+s15+$0x0] =	vst.idx.msk $0xffff, v5  }
0x18a: {  	v8 =	vld [tilespmem:s7+$0xFFFFFFA0];
	[tilespmem:v15+s15+$0x0] =	vst.idx.msk $0xffff, v9;
	v9 =	vor.u32 s9, v2  }
0x18b: {  	v5 =	vld [tilespmem:s7+$0xFFFFFFB0];
	[tilespmem:v19+s15+$0x0] =	vst.idx.msk $0xffff, v10;
	v10 =	vor.u32 s9, v3  }
0x18c: {  	v19 =	vld [tilespmem:s7+$0xFFFFFF00];
	s7 =	simm.s32 $0x12700;
	[tilespmem:v20+s15+$0x0] =	vst.idx.msk $0xffff, v11;
	v20 =	vor.u32 s5, v0  }
0x18d: {  	v23 =	vld [tilespmem:s7+$0x0];
	[tilespmem:v21+s15+$0x0] =	vst.idx.msk $0xffff, v12;
	v21 =	vor.u32 s5, v1  }
0x18e: {  	s9 =	simm.s32 $0x6;
	v24 =	vld [tilespmem:s7+$0x10];
	[tilespmem:v22+s15+$0x0] =	vst.idx.msk $0xffff, v13;
	v22 =	vor.u32 s5, v2  }
0x18f: {  	v11 =	vld [tilespmem:s7+$0x20];
	[tilespmem:v9+s15+$0x0] =	vst.idx.msk $0xffff, v14;
	v9 =	vor.u32 s9, v0  }
0x190: {  	v15 =	vld [tilespmem:s7+$0x30];
	v25 =	vor.u32 s9, v1;
	[tilespmem:v10+s15+$0x0] =	vst.idx.msk $0xffff, v16  }
0x191: {  	v12 =	vld [tilespmem:s7+$0x80];
	[tilespmem:v20+s15+$0x0] =	vst.idx.msk $0xffff, v19;
	v20 =	vor.u32 s9, v2  }
0x192: {  	s28 =	simm.s32 $0x7;
	v13 =	vld [tilespmem:s7+$0x90];
	v19 =	vor.u32 s9, v3;
	[tilespmem:v21+s15+$0x0] =	vst.idx.msk $0xffff, v17  }
0x193: {  	v14 =	vld [tilespmem:s7+$0xA0];
	v16 =	vor.u32 s28, v0;
	[tilespmem:v22+s15+$0x0] =	vst.idx.msk $0xffff, v18  }
0x194: {  	v10 =	vld [tilespmem:s7+$0xB0];
	v17 =	vor.u32 s28, v1;
	[tilespmem:v9+s15+$0x0] =	vst.idx.msk $0xffff, v23  }
0x195: {  	s8 =	simm.s32 $0x4;
	s9 =	simm.s32 $0x8;
	v18 =	vor.u32 s28, v2;
	v9 =	vld [tilespmem:s7+$0xFFFFFF10];
	[tilespmem:v25+s15+$0x0] =	vst.idx.msk $0xffff, v24  }
.LBB2_9:
0x196: {  	p1 =	slt.u32 s9, $0x7C;
	v21 =	vld [tilespmem:s7+$0xFFFFFF20];
	[tilespmem:v20+s15+$0x0] =	vst.idx.msk $0xffff, v11;
	v11 =	vor.u32 s28, v3  }
0x197: {  	s28 =	sadd.s32 $0x1, s5;
	v20 =	vld [tilespmem:s7+$0xFFFFFF30];
	[tilespmem:v19+s15+$0x0] =	vst.idx.msk $0xffff, v15;
	v15 =	vor.u32 s5, v3;
	s5 =	smov.u32 s8;
	s8 =	smov.u32 s9  }
0x198: {  	v19 =	vld [tilespmem:s7+$0xFFFFFF80];
	[tilespmem:v16+s15+$0x0] =	vst.idx.msk $0xffff, v12;
	v12 =	vor.u32 s28, v0  }
0x199: {  	v16 =	vld [tilespmem:s7+$0xFFFFFF90];
	[tilespmem:v17+s15+$0x0] =	vst.idx.msk $0xffff, v13;
	v13 =	vor.u32 s28, v1  }
0x19a: {  	v17 =	vld [tilespmem:s7+$0xFFFFFFA0];
	[tilespmem:v18+s15+$0x0] =	vst.idx.msk $0xffff, v14;
	v14 =	vor.u32 s28, v2  }
0x19b: {  	v18 =	vld [tilespmem:s7+$0xFFFFFFB0];
	[tilespmem:v11+s15+$0x0] =	vst.idx.msk $0xffff, v10;
	v10 =	vor.u32 s28, v3  }
0x19c: {  	v23 =	vor.u32 s5, v0;
	v22 =	vld [tilespmem:s7+$0xFFFFFF00];
	s7 =	sadd.s32 $0x200, s7;
	[tilespmem:v15+s15+$0x0] =	vst.idx.msk $0xffff, v6;
	v6 =	vmov v20  }
0x19d: {  	v25 =	vor.u32 s5, v1;
	v24 =	vld [tilespmem:s7+$0x0];
	[tilespmem:v12+s15+$0x0] =	vst.idx.msk $0xffff, v7;
	v7 =	vmov v19  }
0x19e: {  	v27 =	vor.u32 s5, v2;
	s28 =	sadd.s32 $0x2, s9;
	v26 =	vld [tilespmem:s7+$0x10];
	[tilespmem:v13+s15+$0x0] =	vst.idx.msk $0xffff, v4;
	v4 =	vmov v16  }
0x19f: {  	v28 =	vor.u32 s28, v0;
	v11 =	vld [tilespmem:s7+$0x20];
	[tilespmem:v14+s15+$0x0] =	vst.idx.msk $0xffff, v8;
	v8 =	vmov v17  }
0x1a0: {  	v29 =	vor.u32 s28, v1;
	v15 =	vld [tilespmem:s7+$0x30];
	[tilespmem:v10+s15+$0x0] =	vst.idx.msk $0xffff, v5;
	v5 =	vmov v18  }
.Ltmp3:
0x1a1: {  	v20 =	vor.u32 s28, v2;
	v12 =	vld [tilespmem:s7+$0x80];
	[tilespmem:v23+s15+$0x0] =	vst.idx.msk $0xffff, v22;
	(pc) =	sbr.rel @p1 .LBB2_9-.Ltmp3, $4  }
0x1a2: {  	v19 =	vor.u32 s28, v3;
	s28 =	sadd.s32 $0x3, s9;
	v13 =	vld [tilespmem:s7+$0x90];
	[tilespmem:v25+s15+$0x0] =	vst.idx.msk $0xffff, v9  }
0x1a3: {  	v16 =	vor.u32 s28, v0;
	v14 =	vld [tilespmem:s7+$0xA0];
	[tilespmem:v27+s15+$0x0] =	vst.idx.msk $0xffff, v21  }
0x1a4: {  	v17 =	vor.u32 s28, v1;
	v10 =	vld [tilespmem:s7+$0xB0];
	[tilespmem:v28+s15+$0x0] =	vst.idx.msk $0xffff, v24  }
0x1a5: {  	s9 =	sadd.s32 $0x4, s9;
	v18 =	vor.u32 s28, v2;
	v9 =	vld [tilespmem:s7+$0xFFFFFF10];
	[tilespmem:v29+s15+$0x0] =	vst.idx.msk $0xffff, v26  }
0x1a6: {  	_ =	sdelay $0x3  }
0x1a7: {  	[tilespmem:v20+s15+$0x0] =	vst.idx.msk $0xffff, v11;
	v45 =	vor.u32 s28, v3  }
0x1a8: {  	v46 =	vor.u32 s5, v3;
	s28 =	sadd.s32 $0x1, s5;
	[tilespmem:v19+s15+$0x0] =	vst.idx.msk $0xffff, v15  }
0x1a9: {  	v47 =	vor.u32 s28, v0;
	[tilespmem:v16+s15+$0x0] =	vst.idx.msk $0xffff, v12  }
0x1aa: {  	v48 =	vor.u32 s28, v1;
	[tilespmem:v17+s15+$0x0] =	vst.idx.msk $0xffff, v13  }
0x1ab: {  	v50 =	vor.u32 s28, v2;
	[tilespmem:v18+s15+$0x0] =	vst.idx.msk $0xffff, v14  }
0x1ac: {  	v49 =	vld [tilespmem:s7+$0xFFFFFF20];
	v52 =	vor.u32 s28, v3;
	[tilespmem:v45+s15+$0x0] =	vst.idx.msk $0xffff, v10  }
0x1ad: {  	v53 =	vld [tilespmem:s7+$0xFFFFFF00];
	v54 =	vor.u32 s8, v0;
	[tilespmem:v46+s15+$0x0] =	vst.idx.msk $0xffff, v6  }
0x1ae: {  	v51 =	vld [tilespmem:s7+$0xFFFFFF30];
	v56 =	vor.u32 s8, v1;
	[tilespmem:v47+s15+$0x0] =	vst.idx.msk $0xffff, v7  }
0x1af: {  	v55 =	vld [tilespmem:s7+$0xFFFFFF80];
	v58 =	vor.u32 s8, v2;
	[tilespmem:v48+s15+$0x0] =	vst.idx.msk $0xffff, v4  }
0x1b0: {  	v57 =	vld [tilespmem:s7+$0xFFFFFF90];
	v59 =	vor.u32 s8, v3;
	s9 =	sadd.s32 $0x1, s8;
	[tilespmem:v50+s15+$0x0] =	vst.idx.msk $0xffff, v8  }
0x1b1: {  	v60 =	vld [tilespmem:s7+$0xFFFFFFB0];
	[tilespmem:v52+s15+$0x0] =	vst.idx.msk $0xffff, v5;
	v5 =	vor.u32 s9, v0  }
0x1b2: {  	v61 =	vor.u32 s9, v1;
	v4 =	vld [tilespmem:s7+$0xFFFFFFA0];
	[tilespmem:v54+s15+$0x0] =	vst.idx.msk $0xffff, v53  }
0x1b3: {  	v62 =	vor.u32 s9, v2;
	[tilespmem:v56+s15+$0x0] =	vst.idx.msk $0xffff, v9  }
0x1b4: {  	v63 =	vor.u32 s9, v3;
	[tilespmem:v58+s15+$0x0] =	vst.idx.msk $0xffff, v49  }
0x1b5: {  	[tilespmem:v59+s15+$0x0] =	vst.idx.msk $0xffff, v51  }
0x1b6: {  	[tilespmem:v5+s15+$0x0] =	vst.idx.msk $0xffff, v55  }
0x1b7: {  	[tilespmem:v61+s15+$0x0] =	vst.idx.msk $0xffff, v57  }
0x1b8: {  	[tilespmem:v62+s15+$0x0] =	vst.idx.msk $0xffff, v4  }
0x1b9: {  	s5 =	sadd.s32 @!p0 $0x380, s14;
	s8 =	simm.s32 @!p0 $0x12400;
	s7 =	simm.s32 @!p0 $0x20;
	[tilespmem:v63+s15+$0x0] =	vst.idx.msk $0xffff, v60  }
0x1ba: {  	[tilespmem:s8], [sflag:$0x4] =	stream.indirect.gather @!p0 [hbm4b:s0+s7], $0x80, s5, s7, $0xb8;
	[tilespmem:$0x1E400] =	vst v63  }
0x1bb: {  	s5 =	sadd.s32 @!p0 $0x3A0, s14;
	s8 =	simm.s32 @!p0 $0x13400  }
0x1bc: {  	[tilespmem:s8], [sflag:$0x4] =	stream.indirect.gather @!p0 [hbm4b:s0+s7], $0x80, s5, s7, $0xb8;
	[tilespmem:$0x1E400] =	vst v63  }
0x1bd: {  	s5 =	sadd.s32 @!p0 $0x3C0, s14;
	s8 =	simm.s32 @!p0 $0x14400  }
0x1be: {  	[tilespmem:s8], [sflag:$0x4] =	stream.indirect.gather @!p0 [hbm4b:s0+s7], $0x80, s5, s7, $0xb8;
	[tilespmem:$0x1E400] =	vst v63  }
0x1bf: {  	s28 =	rddreg [dreg:$0x8];
	s5 =	sadd.s32 @!p0 $0x3E0, s14;
	s8 =	simm.s32 @!p0 $0x15400  }
0x1c0: {  	[tilespmem:s8], [sflag:$0x4] =	stream.indirect.gather @!p0 [hbm4b:s0+s7], $0x80, s5, s7, $0xb8;
	[tilespmem:$0x1E400] =	vst v63  }
0x1c1: {  	s2 =	sadd.s32 s2, s28  }
0x1c2: {  	[hbm4b:s2+s4] =	stream.linear.scatter [tilespmem:s15], [sflag:$0x6], $0x400, $0x38;
	[tilespmem:$0x1E400] =	vst v63  }
0x1c3: {  	s5 =	sadd.s32 $0x1000, s2  }
0x1c4: {  	[hbm4b:s5+s4] =	stream.linear.scatter [tilespmem:s16], [sflag:$0x6], $0x400, $0x38;
	[tilespmem:$0x1E400] =	vst v63  }
0x1c5: {  	s7 =	sadd.s32 $0x2000, s2  }
0x1c6: {  	[hbm4b:s7+s4] =	stream.linear.scatter [tilespmem:s17], [sflag:$0x6], $0x400, $0x38;
	[tilespmem:$0x1E400] =	vst v63  }
0x1c7: {  	s8 =	sadd.s32 $0x3000, s2  }
0x1c8: {  	[hbm4b:s8+s4] =	stream.linear.scatter [tilespmem:s18], [sflag:$0x6], $0x400, $0x38;
	[tilespmem:$0x1E400] =	vst v63  }
0x1c9: {  	s13 =	sadd.s32 $0x1, s13;
	s9 =	sadd.s32 $0x4000, s2  }
0x1ca: {  	[hbm4b:s9+s4] =	stream.linear.scatter [tilespmem:s19], [sflag:$0x6], $0x400, $0x38;
	[tilespmem:$0x1E400] =	vst v63  }
0x1cb: {  	s14 =	sadd.s32 $0x5000, s2;
	p0 =	sne.s32 s13, $0x32  }
0x1cc: {  	[hbm4b:s14+s4] =	stream.linear.scatter [tilespmem:s20], [sflag:$0x6], $0x400, $0x38;
	[tilespmem:$0x1E400] =	vst v63  }
.Ltmp4:
0x1cd: {  	_ = 	snop;
	(pc) =	sbr.rel @p0 .LBB2_2-.Ltmp4, $4  }
0x1ce: {  	s28 =	sadd.s32 $0x6000, s2  }
0x1cf: {  	[hbm4b:s28+s4] =	stream.linear.scatter [tilespmem:s21], [sflag:$0x6], $0x400, $0x38;
	[tilespmem:$0x1E400] =	vst v63  }
0x1d0: {  	s2 =	sadd.s32 $0x7000, s2  }
0x1d1: {  	[hbm4b:s2+s4] =	stream.linear.scatter [tilespmem:s22], [sflag:$0x6], $0x400, $0x38;
	[tilespmem:$0x1E400] =	vst v63  }
0x1d2: {  	_ =	swait.ge [sflag:s24], $0x2000  }
0x1d3: {  	[sflag:s24] =	ssyncset.done $0x0  }
0x1d4: {  	[sflag:s24] =	ssyncadd.s32 $0xFFFFE000  }
0x1d5: {  	_ =	swait.ge [sflag:s10], $0x2000  }
0x1d6: {  	s5 =	rddreg [dreg:$0xa]  }
0x1d7: {  	s2 =	rddreg [dreg:$0x9];
	s5 =	sadd.s32 $0x1, s5  }
0x1d8: {  	p0 =	sne.s32 s5, s2  }
.Ltmp5:
0x1d9: {  	_ = 	snop;
	(pc) =	sbr.rel @p0 .LBB2_1-.Ltmp5, $3  }
0x1da: {  	_ =	sdelay $0x1  }
0x1db: {  	[sflag:s10] =	ssyncset.done $0x0  }
0x1dc: {  	[sflag:s10] =	ssyncadd.s32 $0xFFFFE000  }
0x1dd: {  	_ =	sfence.sel $0x180000  }
0x1de: {  	[bflag:$0x0] =	sbarrier.arrive $0xFFFF  }
0x1df: {  	_ =	strace $0x90000047  }
0x1e0: {  	s0 =	stileid.u32;
	[bflag:$0x2] =	sbarrier.arrive $0xFFFF  }
0x1e1: {  	p0 =	sne.s32 s0, $0x0;
	s0 =	rddreg [dreg:$0x3]  }
0x1e2: {  	s0 =	sadd.s32 @!p0 $0x100000, s0  }
0x1e3: {  	[sflag:s0] =	ssyncadd.tile.s32 @!p0 $0x1;
	_ =	shalt  }
.Lfunc_end2:
_tile_overlayer_lowered:
.L_overlay_start_2:
0x1e4: {  	(tag) =	ssettag $0x2  }
0x1e5: {  	s0 =	rddreg [dreg:$0x0];
	s2 =	stileid.u32  }
0x1e6: {  	s1 =	rddreg [dreg:$0x1];
	p0 =	sne.s32 s2, $0x0  }
0x1e7: {  	s3 =	rddreg [dreg:$0x2];
	[bflag:$0x3] =	sbarrier.arrive $0xFFFF;
	s2 =	simm.s32 @!p0 $0x1C07  }
0x1e8: {  	[timem:s3], [sflag:s2] =	dma.local @!p0 [hbm:s0], s1  }
0x1e9: {  	s0 =	simm.s32 @!p0 $0x7  }
0x1ea: {  	_ =	swait.ge @!p0 [sflag:s0], s1  }
0x1eb: {  	s1 =	ssub.s32 @!p0 $0x0, s1;
	[sflag:s0] =	ssyncset.done @!p0 $0x0  }
0x1ec: {  	[sflag:s0] =	ssyncadd.s32 @!p0 s1  }
0x1ed: {  	[bflag:$0x3] =	sbarrier.arrive $0xFFFF  }
0x1ee: {  	_ =	shalt  }

</sc_bundles>
